<compile_context>
chip_gen: v7x
topology: tpu7x:2x2x1
jax: 0.10.2.dev20260603
libtpu: 0.0.44.dev20260713+nightly
codegen_flags: <defaults>
</compile_context>

<pallas_src>
import jax
import jax.numpy as jnp
from jax import lax
from jax.experimental import pallas as pl
from jax.experimental.pallas import tpu as pltpu
from jax.experimental.pallas import tpu_sc as plsc

D = 2048
R = 8192
NC = 2
NS = 16
NW = NC * NS
R_PER_W = R // NW
CH2 = 8
NBUF = 3
N_CHUNKS = R_PER_W // CH2
N_ROUNDS = (N_CHUNKS + NBUF - 1) // NBUF


def _gather_body(table_hbm, rows_hbm, cols_hbm, out_hbm, idx_v, bufs, gsem,
                 wsem):
    wid = lax.axis_index("s") * NC + lax.axis_index("c")
    base = wid * R_PER_W
    pltpu.sync_copy(rows_hbm.at[0, pl.ds(base, R_PER_W)],
                    idx_v.at[pl.ds(0, R_PER_W)])
    pltpu.sync_copy(cols_hbm.at[0, pl.ds(base, R_PER_W)],
                    idx_v.at[pl.ds(R_PER_W, R_PER_W)])

    def start_gathers(g, b):
        pltpu.async_copy(
            table_hbm.at[idx_v.at[pl.ds(g * CH2, CH2)]],
            bufs.at[b, pl.ds(0, CH2), pl.ds(0, D)], gsem.at[b])
        pltpu.async_copy(
            table_hbm.at[idx_v.at[pl.ds(R_PER_W + g * CH2, CH2)]],
            bufs.at[b, pl.ds(0, CH2), pl.ds(D, D)], gsem.at[b])

    def wait_gathers(b):
        pltpu.make_async_copy(
            out_hbm.at[0, pl.ds(0, CH2)], bufs.at[b], gsem.at[b]).wait()

    for b in range(NBUF):
        start_gathers(b, b)

    def round_fn(r, carry):
        for b in range(NBUF):
            g = r * NBUF + b

            @pl.when(g < N_CHUNKS)
            def _():
                wait_gathers(b)
                cp = pltpu.make_async_copy(
                    bufs.at[b], out_hbm.at[0, pl.ds(base + g * CH2, CH2)],
                    wsem.at[b])
                cp.start()
                cp.wait()

                @pl.when(g + NBUF < N_CHUNKS)
                def _():
                    start_gathers(g + NBUF, b)
        return carry

    lax.fori_loop(0, N_ROUNDS, round_fn, 0)


@jax.jit
def kernel(rows, cols, cos_sin):
    mesh = plsc.VectorSubcoreMesh(core_axis_name="c", subcore_axis_name="s")
    return pl.kernel(
        _gather_body,
        mesh=mesh,
        out_type=jax.ShapeDtypeStruct((1, R, 2 * D), jnp.float32),
        scratch_types=[
            pltpu.VMEM((2 * R_PER_W,), jnp.int32),
            pltpu.VMEM((NBUF, CH2, 2 * D), jnp.float32),
            pltpu.SemaphoreType.DMA((NBUF,)),
            pltpu.SemaphoreType.DMA((NBUF,)),
        ],
    )(cos_sin, rows, cols)

# --- scband reference (transcript-rebuilt; emitter-appended) ---
"""Pipeline reference for scband-cos-sin-embedding-65077344469003 (READ-ONLY COPY).

The authoritative reference and input builder live on the scoring server;
editing this copy changes nothing except your own understanding.
"""

import jax, jax.numpy as jnp
import numpy as np

DIM = 4096
THETA = 2048
SEQ = 8192

def _build_cos_sin(dim, theta):
    freq = (1.0 / (theta ** (np.arange(0, dim, 4).astype(np.float32) / dim)))[None, :]
    pos = np.arange(0, theta).astype(np.float32)[:, None]
    prod = pos * freq
    cos = np.cos(prod)
    sin = np.sin(prod)
    return jnp.asarray(np.concatenate([cos, sin], axis=1).astype(np.float32))

def setup_inputs(seed: int = 0) -> dict:
    key = jax.random.key(seed)
    k1, k2 = jax.random.split(key)
    rows = jax.random.randint(k1, (1, SEQ), 0, THETA, dtype=jnp.int32)
    cols = jax.random.randint(k2, (1, SEQ), 0, THETA, dtype=jnp.int32)
    cos_sin = _build_cos_sin(DIM, THETA)
    return {"rows": rows, "cols": cols, "cos_sin": cos_sin}

def reference(rows, cols, cos_sin):
    # faithful translation of CosSinEmbedding.forward
    rows_cos_sin = jnp.take(cos_sin, rows[0], axis=0)
    cols_cos_sin = jnp.take(cos_sin, cols[0], axis=0)
    return jnp.concatenate([rows_cos_sin, cols_cos_sin], axis=1)[None, :]

if __name__ == "__main__":
    import jax
    _d = setup_inputs()
    print(jax.jit(kernel)(*tuple(_d.values())))

</pallas_src>

<mosaic_0001>
#map = affine_map<(d0, d1) -> (0, 0)>
#map1 = affine_map<(d0, d1) -> (0, 0, 0)>
module attributes {stable_mosaic.version = 14 : i64} {
  func.func @_gather_body(%arg0: i32, %arg1: i32, %arg2: memref<2048x2048xf32, #tpu.memory_space<hbm>>, %arg3: memref<1x8192xi32, #tpu.memory_space<hbm>>, %arg4: memref<1x8192xi32, #tpu.memory_space<hbm>>, %arg5: memref<1x8192x4096xf32, #tpu.memory_space<hbm>>, %arg6: memref<512xi32, #tpu.memory_space<vmem>>, %arg7: memref<3x8x4096xf32, #tpu.memory_space<vmem>>, %arg8: memref<3x!tpu.dma_semaphore, #tpu.memory_space<semaphore_mem>>, %arg9: memref<3x!tpu.dma_semaphore, #tpu.memory_space<semaphore_mem>>) attributes {dimension_semantics = [#tpu.dimension_semantics<core_parallel>, #tpu.dimension_semantics<subcore_parallel>], iteration_bounds = array<i64: 2, 16>, scalar_prefetch = 0 : i64, scratch_operands = 4 : i64, tpu.core_type = #tpu.core_type<sc_vector_subcore>, window_params = [{transform_indices = #map}, {transform_indices = #map}, {transform_indices = #map}, {transform_indices = #map1}]} {
    %mul3A = arith.constant 2 : i32
    %mul3A_0 = arith.muli %arg1, %mul3A : i32
    %add3A = arith.addi %mul3A_0, %arg0 : i32
    %mul3A_1 = arith.constant 256 : i32
    %mul3A_2 = arith.muli %add3A, %mul3A_1 : i32
    %run_scoped3A = arith.constant 0 : i32
    "tpu.region"() ({
      %run_scoped3A_86 = tpu.sem_alloc : memref<!tpu.dma_semaphore, #tpu.memory_space<semaphore_mem>>
      %dma_start3A_87 = arith.constant 0 : i32
      %dma_start3A_88 = tpu.memref_slice %arg6[%dma_start3A_87] : memref<512xi32, #tpu.memory_space<vmem>> -> memref<256xi32, #tpu.memory_space<vmem>>
      %dma_start3A_89 = tpu.memref_slice %arg3[%run_scoped3A, %mul3A_2] : memref<1x8192xi32, #tpu.memory_space<hbm>> -> memref<1x256xi32, #tpu.memory_space<hbm>>
      %dma_start3A_90 = tpu.memref_squeeze %dma_start3A_89 : memref<1x256xi32, #tpu.memory_space<hbm>> -> memref<256xi32, #tpu.memory_space<hbm>>
      %dma_start3A_91 = arith.constant 0 : i32
      %dma_start3A_92 = tpu.memref_slice %arg6[%dma_start3A_91] : memref<512xi32, #tpu.memory_space<vmem>> -> memref<256xi32, #tpu.memory_space<vmem>>
      %dma_start3A_93 = tpu.memref_slice %arg3[%run_scoped3A, %mul3A_2] : memref<1x8192xi32, #tpu.memory_space<hbm>> -> memref<1x256xi32, #tpu.memory_space<hbm>>
      %dma_start3A_94 = tpu.memref_squeeze %dma_start3A_93 : memref<1x256xi32, #tpu.memory_space<hbm>> -> memref<256xi32, #tpu.memory_space<hbm>>
      tpu.enqueue_dma source(%dma_start3A_94 : memref<256xi32, #tpu.memory_space<hbm>>) target(%dma_start3A_92 : memref<256xi32, #tpu.memory_space<vmem>>) target_semaphore(%run_scoped3A_86 : memref<!tpu.dma_semaphore, #tpu.memory_space<semaphore_mem>>)
      %dma_wait3A = arith.constant 0 : i32
      %dma_wait3A_95 = tpu.memref_slice %arg6[%dma_wait3A] : memref<512xi32, #tpu.memory_space<vmem>> -> memref<256xi32, #tpu.memory_space<vmem>>
      %dma_wait3A_96 = tpu.memref_slice %arg3[%run_scoped3A, %mul3A_2] : memref<1x8192xi32, #tpu.memory_space<hbm>> -> memref<1x256xi32, #tpu.memory_space<hbm>>
      %dma_wait3A_97 = tpu.memref_squeeze %dma_wait3A_96 : memref<1x256xi32, #tpu.memory_space<hbm>> -> memref<256xi32, #tpu.memory_space<hbm>>
      %dma_wait3A_98 = arith.constant 0 : i32
      %dma_wait3A_99 = tpu.memref_slice %arg6[%dma_wait3A_98] : memref<512xi32, #tpu.memory_space<vmem>> -> memref<256xi32, #tpu.memory_space<vmem>>
      %dma_wait3A_100 = tpu.memref_slice %arg3[%run_scoped3A, %mul3A_2] : memref<1x8192xi32, #tpu.memory_space<hbm>> -> memref<1x256xi32, #tpu.memory_space<hbm>>
      %dma_wait3A_101 = tpu.memref_squeeze %dma_wait3A_100 : memref<1x256xi32, #tpu.memory_space<hbm>> -> memref<256xi32, #tpu.memory_space<hbm>>
      tpu.wait_dma2 semaphore(%run_scoped3A_86 : memref<!tpu.dma_semaphore, #tpu.memory_space<semaphore_mem>>) src(%dma_wait3A_101 : memref<256xi32, #tpu.memory_space<hbm>>) dst(%dma_wait3A_99 : memref<256xi32, #tpu.memory_space<vmem>>)
      tpu.yield
    }) : () -> ()
    %run_scoped3A_3 = arith.constant 0 : i32
    "tpu.region"() ({
      %run_scoped3A_86 = tpu.sem_alloc : memref<!tpu.dma_semaphore, #tpu.memory_space<semaphore_mem>>
      %dma_start3A_87 = arith.constant 256 : i32
      %dma_start3A_88 = tpu.memref_slice %arg6[%dma_start3A_87] : memref<512xi32, #tpu.memory_space<vmem>> -> memref<256xi32, #tpu.memory_space<vmem>>
      %dma_start3A_89 = tpu.memref_slice %arg4[%run_scoped3A_3, %mul3A_2] : memref<1x8192xi32, #tpu.memory_space<hbm>> -> memref<1x256xi32, #tpu.memory_space<hbm>>
      %dma_start3A_90 = tpu.memref_squeeze %dma_start3A_89 : memref<1x256xi32, #tpu.memory_space<hbm>> -> memref<256xi32, #tpu.memory_space<hbm>>
      %dma_start3A_91 = arith.constant 256 : i32
      %dma_start3A_92 = tpu.memref_slice %arg6[%dma_start3A_91] : memref<512xi32, #tpu.memory_space<vmem>> -> memref<256xi32, #tpu.memory_space<vmem>>
      %dma_start3A_93 = tpu.memref_slice %arg4[%run_scoped3A_3, %mul3A_2] : memref<1x8192xi32, #tpu.memory_space<hbm>> -> memref<1x256xi32, #tpu.memory_space<hbm>>
      %dma_start3A_94 = tpu.memref_squeeze %dma_start3A_93 : memref<1x256xi32, #tpu.memory_space<hbm>> -> memref<256xi32, #tpu.memory_space<hbm>>
      tpu.enqueue_dma source(%dma_start3A_94 : memref<256xi32, #tpu.memory_space<hbm>>) target(%dma_start3A_92 : memref<256xi32, #tpu.memory_space<vmem>>) target_semaphore(%run_scoped3A_86 : memref<!tpu.dma_semaphore, #tpu.memory_space<semaphore_mem>>)
      %dma_wait3A = arith.constant 256 : i32
      %dma_wait3A_95 = tpu.memref_slice %arg6[%dma_wait3A] : memref<512xi32, #tpu.memory_space<vmem>> -> memref<256xi32, #tpu.memory_space<vmem>>
      %dma_wait3A_96 = tpu.memref_slice %arg4[%run_scoped3A_3, %mul3A_2] : memref<1x8192xi32, #tpu.memory_space<hbm>> -> memref<1x256xi32, #tpu.memory_space<hbm>>
      %dma_wait3A_97 = tpu.memref_squeeze %dma_wait3A_96 : memref<1x256xi32, #tpu.memory_space<hbm>> -> memref<256xi32, #tpu.memory_space<hbm>>
      %dma_wait3A_98 = arith.constant 256 : i32
      %dma_wait3A_99 = tpu.memref_slice %arg6[%dma_wait3A_98] : memref<512xi32, #tpu.memory_space<vmem>> -> memref<256xi32, #tpu.memory_space<vmem>>
      %dma_wait3A_100 = tpu.memref_slice %arg4[%run_scoped3A_3, %mul3A_2] : memref<1x8192xi32, #tpu.memory_space<hbm>> -> memref<1x256xi32, #tpu.memory_space<hbm>>
      %dma_wait3A_101 = tpu.memref_squeeze %dma_wait3A_100 : memref<1x256xi32, #tpu.memory_space<hbm>> -> memref<256xi32, #tpu.memory_space<hbm>>
      tpu.wait_dma2 semaphore(%run_scoped3A_86 : memref<!tpu.dma_semaphore, #tpu.memory_space<semaphore_mem>>) src(%dma_wait3A_101 : memref<256xi32, #tpu.memory_space<hbm>>) dst(%dma_wait3A_99 : memref<256xi32, #tpu.memory_space<vmem>>)
      tpu.yield
    }) : () -> ()
    %dma_start3A = arith.constant 0 : i32
    %dma_start3A_4 = arith.constant 0 : i32
    %dma_start3A_5 = arith.constant 0 : i32
    %dma_start3A_6 = arith.constant 0 : i32
    %dma_start3A_7 = tpu.memref_slice %arg7[%dma_start3A, %dma_start3A_5, %dma_start3A_6] : memref<3x8x4096xf32, #tpu.memory_space<vmem>> -> memref<1x8x2048xf32, #tpu.memory_space<vmem>>
    %dma_start3A_8 = tpu.memref_squeeze %dma_start3A_7 : memref<1x8x2048xf32, #tpu.memory_space<vmem>> -> memref<8x2048xf32, #tpu.memory_space<vmem>>
    %dma_start3A_9 = arith.constant 0 : i32
    %dma_start3A_10 = tpu.memref_slice %arg6[%dma_start3A_9] : memref<512xi32, #tpu.memory_space<vmem>> -> memref<8xi32, #tpu.memory_space<vmem>>
    %dma_start3A_11 = arith.constant 0 : i32
    %dma_start3A_12 = arith.constant 0 : i32
    %dma_start3A_13 = tpu.memref_slice %arg2[%dma_start3A_11, %dma_start3A_12] : memref<2048x2048xf32, #tpu.memory_space<hbm>> -> memref<2048x2048xf32, #tpu.memory_space<hbm>>
    %dma_start3A_14 = tpu.memref_slice %arg8[%dma_start3A_4] : memref<3x!tpu.dma_semaphore, #tpu.memory_space<semaphore_mem>> -> memref<1x!tpu.dma_semaphore, #tpu.memory_space<semaphore_mem>>
    %dma_start3A_15 = tpu.memref_squeeze %dma_start3A_14 : memref<1x!tpu.dma_semaphore, #tpu.memory_space<semaphore_mem>> -> memref<!tpu.dma_semaphore, #tpu.memory_space<semaphore_mem>>
    tpu.enqueue_indirect_dma source(%dma_start3A_13 : memref<2048x2048xf32, #tpu.memory_space<hbm>>) target(%dma_start3A_8 : memref<8x2048xf32, #tpu.memory_space<vmem>>) offsets(%dma_start3A_10 : memref<8xi32, #tpu.memory_space<vmem>>) semaphore(%dma_start3A_15 : memref<!tpu.dma_semaphore, #tpu.memory_space<semaphore_mem>>)
    %dma_start3A_16 = arith.constant 0 : i32
    %dma_start3A_17 = arith.constant 0 : i32
    %dma_start3A_18 = arith.constant 0 : i32
    %dma_start3A_19 = arith.constant 2048 : i32
    %dma_start3A_20 = tpu.memref_slice %arg7[%dma_start3A_16, %dma_start3A_18, %dma_start3A_19] : memref<3x8x4096xf32, #tpu.memory_space<vmem>> -> memref<1x8x2048xf32, #tpu.memory_space<vmem>>
    %dma_start3A_21 = tpu.memref_squeeze %dma_start3A_20 : memref<1x8x2048xf32, #tpu.memory_space<vmem>> -> memref<8x2048xf32, #tpu.memory_space<vmem>>
    %dma_start3A_22 = arith.constant 256 : i32
    %dma_start3A_23 = tpu.memref_slice %arg6[%dma_start3A_22] : memref<512xi32, #tpu.memory_space<vmem>> -> memref<8xi32, #tpu.memory_space<vmem>>
    %dma_start3A_24 = arith.constant 0 : i32
    %dma_start3A_25 = arith.constant 0 : i32
    %dma_start3A_26 = tpu.memref_slice %arg2[%dma_start3A_24, %dma_start3A_25] : memref<2048x2048xf32, #tpu.memory_space<hbm>> -> memref<2048x2048xf32, #tpu.memory_space<hbm>>
    %dma_start3A_27 = tpu.memref_slice %arg8[%dma_start3A_17] : memref<3x!tpu.dma_semaphore, #tpu.memory_space<semaphore_mem>> -> memref<1x!tpu.dma_semaphore, #tpu.memory_space<semaphore_mem>>
    %dma_start3A_28 = tpu.memref_squeeze %dma_start3A_27 : memref<1x!tpu.dma_semaphore, #tpu.memory_space<semaphore_mem>> -> memref<!tpu.dma_semaphore, #tpu.memory_space<semaphore_mem>>
    tpu.enqueue_indirect_dma source(%dma_start3A_26 : memref<2048x2048xf32, #tpu.memory_space<hbm>>) target(%dma_start3A_21 : memref<8x2048xf32, #tpu.memory_space<vmem>>) offsets(%dma_start3A_23 : memref<8xi32, #tpu.memory_space<vmem>>) semaphore(%dma_start3A_28 : memref<!tpu.dma_semaphore, #tpu.memory_space<semaphore_mem>>)
    %dma_start3A_29 = arith.constant 1 : i32
    %dma_start3A_30 = arith.constant 1 : i32
    %dma_start3A_31 = arith.constant 0 : i32
    %dma_start3A_32 = arith.constant 0 : i32
    %dma_start3A_33 = tpu.memref_slice %arg7[%dma_start3A_29, %dma_start3A_31, %dma_start3A_32] : memref<3x8x4096xf32, #tpu.memory_space<vmem>> -> memref<1x8x2048xf32, #tpu.memory_space<vmem>>
    %dma_start3A_34 = tpu.memref_squeeze %dma_start3A_33 : memref<1x8x2048xf32, #tpu.memory_space<vmem>> -> memref<8x2048xf32, #tpu.memory_space<vmem>>
    %dma_start3A_35 = arith.constant 8 : i32
    %dma_start3A_36 = tpu.memref_slice %arg6[%dma_start3A_35] : memref<512xi32, #tpu.memory_space<vmem>> -> memref<8xi32, #tpu.memory_space<vmem>>
    %dma_start3A_37 = arith.constant 0 : i32
    %dma_start3A_38 = arith.constant 0 : i32
    %dma_start3A_39 = tpu.memref_slice %arg2[%dma_start3A_37, %dma_start3A_38] : memref<2048x2048xf32, #tpu.memory_space<hbm>> -> memref<2048x2048xf32, #tpu.memory_space<hbm>>
    %dma_start3A_40 = tpu.memref_slice %arg8[%dma_start3A_30] : memref<3x!tpu.dma_semaphore, #tpu.memory_space<semaphore_mem>> -> memref<1x!tpu.dma_semaphore, #tpu.memory_space<semaphore_mem>>
    %dma_start3A_41 = tpu.memref_squeeze %dma_start3A_40 : memref<1x!tpu.dma_semaphore, #tpu.memory_space<semaphore_mem>> -> memref<!tpu.dma_semaphore, #tpu.memory_space<semaphore_mem>>
    tpu.enqueue_indirect_dma source(%dma_start3A_39 : memref<2048x2048xf32, #tpu.memory_space<hbm>>) target(%dma_start3A_34 : memref<8x2048xf32, #tpu.memory_space<vmem>>) offsets(%dma_start3A_36 : memref<8xi32, #tpu.memory_space<vmem>>) semaphore(%dma_start3A_41 : memref<!tpu.dma_semaphore, #tpu.memory_space<semaphore_mem>>)
    %dma_start3A_42 = arith.constant 1 : i32
    %dma_start3A_43 = arith.constant 1 : i32
    %dma_start3A_44 = arith.constant 0 : i32
    %dma_start3A_45 = arith.constant 2048 : i32
    %dma_start3A_46 = tpu.memref_slice %arg7[%dma_start3A_42, %dma_start3A_44, %dma_start3A_45] : memref<3x8x4096xf32, #tpu.memory_space<vmem>> -> memref<1x8x2048xf32, #tpu.memory_space<vmem>>
    %dma_start3A_47 = tpu.memref_squeeze %dma_start3A_46 : memref<1x8x2048xf32, #tpu.memory_space<vmem>> -> memref<8x2048xf32, #tpu.memory_space<vmem>>
    %dma_start3A_48 = arith.constant 264 : i32
    %dma_start3A_49 = tpu.memref_slice %arg6[%dma_start3A_48] : memref<512xi32, #tpu.memory_space<vmem>> -> memref<8xi32, #tpu.memory_space<vmem>>
    %dma_start3A_50 = arith.constant 0 : i32
    %dma_start3A_51 = arith.constant 0 : i32
    %dma_start3A_52 = tpu.memref_slice %arg2[%dma_start3A_50, %dma_start3A_51] : memref<2048x2048xf32, #tpu.memory_space<hbm>> -> memref<2048x2048xf32, #tpu.memory_space<hbm>>
    %dma_start3A_53 = tpu.memref_slice %arg8[%dma_start3A_43] : memref<3x!tpu.dma_semaphore, #tpu.memory_space<semaphore_mem>> -> memref<1x!tpu.dma_semaphore, #tpu.memory_space<semaphore_mem>>
    %dma_start3A_54 = tpu.memref_squeeze %dma_start3A_53 : memref<1x!tpu.dma_semaphore, #tpu.memory_space<semaphore_mem>> -> memref<!tpu.dma_semaphore, #tpu.memory_space<semaphore_mem>>
    tpu.enqueue_indirect_dma source(%dma_start3A_52 : memref<2048x2048xf32, #tpu.memory_space<hbm>>) target(%dma_start3A_47 : memref<8x2048xf32, #tpu.memory_space<vmem>>) offsets(%dma_start3A_49 : memref<8xi32, #tpu.memory_space<vmem>>) semaphore(%dma_start3A_54 : memref<!tpu.dma_semaphore, #tpu.memory_space<semaphore_mem>>)
    %dma_start3A_55 = arith.constant 2 : i32
    %dma_start3A_56 = arith.constant 2 : i32
    %dma_start3A_57 = arith.constant 0 : i32
    %dma_start3A_58 = arith.constant 0 : i32
    %dma_start3A_59 = tpu.memref_slice %arg7[%dma_start3A_55, %dma_start3A_57, %dma_start3A_58] : memref<3x8x4096xf32, #tpu.memory_space<vmem>> -> memref<1x8x2048xf32, #tpu.memory_space<vmem>>
    %dma_start3A_60 = tpu.memref_squeeze %dma_start3A_59 : memref<1x8x2048xf32, #tpu.memory_space<vmem>> -> memref<8x2048xf32, #tpu.memory_space<vmem>>
    %dma_start3A_61 = arith.constant 16 : i32
    %dma_start3A_62 = tpu.memref_slice %arg6[%dma_start3A_61] : memref<512xi32, #tpu.memory_space<vmem>> -> memref<8xi32, #tpu.memory_space<vmem>>
    %dma_start3A_63 = arith.constant 0 : i32
    %dma_start3A_64 = arith.constant 0 : i32
    %dma_start3A_65 = tpu.memref_slice %arg2[%dma_start3A_63, %dma_start3A_64] : memref<2048x2048xf32, #tpu.memory_space<hbm>> -> memref<2048x2048xf32, #tpu.memory_space<hbm>>
    %dma_start3A_66 = tpu.memref_slice %arg8[%dma_start3A_56] : memref<3x!tpu.dma_semaphore, #tpu.memory_space<semaphore_mem>> -> memref<1x!tpu.dma_semaphore, #tpu.memory_space<semaphore_mem>>
    %dma_start3A_67 = tpu.memref_squeeze %dma_start3A_66 : memref<1x!tpu.dma_semaphore, #tpu.memory_space<semaphore_mem>> -> memref<!tpu.dma_semaphore, #tpu.memory_space<semaphore_mem>>
    tpu.enqueue_indirect_dma source(%dma_start3A_65 : memref<2048x2048xf32, #tpu.memory_space<hbm>>) target(%dma_start3A_60 : memref<8x2048xf32, #tpu.memory_space<vmem>>) offsets(%dma_start3A_62 : memref<8xi32, #tpu.memory_space<vmem>>) semaphore(%dma_start3A_67 : memref<!tpu.dma_semaphore, #tpu.memory_space<semaphore_mem>>)
    %dma_start3A_68 = arith.constant 2 : i32
    %dma_start3A_69 = arith.constant 2 : i32
    %dma_start3A_70 = arith.constant 0 : i32
    %dma_start3A_71 = arith.constant 2048 : i32
    %dma_start3A_72 = tpu.memref_slice %arg7[%dma_start3A_68, %dma_start3A_70, %dma_start3A_71] : memref<3x8x4096xf32, #tpu.memory_space<vmem>> -> memref<1x8x2048xf32, #tpu.memory_space<vmem>>
    %dma_start3A_73 = tpu.memref_squeeze %dma_start3A_72 : memref<1x8x2048xf32, #tpu.memory_space<vmem>> -> memref<8x2048xf32, #tpu.memory_space<vmem>>
    %dma_start3A_74 = arith.constant 272 : i32
    %dma_start3A_75 = tpu.memref_slice %arg6[%dma_start3A_74] : memref<512xi32, #tpu.memory_space<vmem>> -> memref<8xi32, #tpu.memory_space<vmem>>
    %dma_start3A_76 = arith.constant 0 : i32
    %dma_start3A_77 = arith.constant 0 : i32
    %dma_start3A_78 = tpu.memref_slice %arg2[%dma_start3A_76, %dma_start3A_77] : memref<2048x2048xf32, #tpu.memory_space<hbm>> -> memref<2048x2048xf32, #tpu.memory_space<hbm>>
    %dma_start3A_79 = tpu.memref_slice %arg8[%dma_start3A_69] : memref<3x!tpu.dma_semaphore, #tpu.memory_space<semaphore_mem>> -> memref<1x!tpu.dma_semaphore, #tpu.memory_space<semaphore_mem>>
    %dma_start3A_80 = tpu.memref_squeeze %dma_start3A_79 : memref<1x!tpu.dma_semaphore, #tpu.memory_space<semaphore_mem>> -> memref<!tpu.dma_semaphore, #tpu.memory_space<semaphore_mem>>
    tpu.enqueue_indirect_dma source(%dma_start3A_78 : memref<2048x2048xf32, #tpu.memory_space<hbm>>) target(%dma_start3A_73 : memref<8x2048xf32, #tpu.memory_space<vmem>>) offsets(%dma_start3A_75 : memref<8xi32, #tpu.memory_space<vmem>>) semaphore(%dma_start3A_80 : memref<!tpu.dma_semaphore, #tpu.memory_space<semaphore_mem>>)
    %scan3A = arith.constant 0 : i32
    %scan3A_81 = arith.constant 0 : i32
    %scan3A_82 = arith.constant 11 : i32
    %scan3A_83 = arith.addi %scan3A_81, %scan3A_82 : i32
    %scan3A_84 = arith.constant 1 : i32
    scf.for %scan3A_86 = %scan3A_81 to %scan3A_83 step %scan3A_84  : i32 {
      %mul3A_87 = arith.constant 3 : i32
      %mul3A_88 = arith.muli %scan3A_86, %mul3A_87 : i32
      %add3A_89 = arith.constant 0 : i32
      %add3A_90 = arith.addi %mul3A_88, %add3A_89 : i32
      %lt3A = arith.constant 32 : i32
      %lt3A_91 = arith.cmpi slt, %add3A_90, %lt3A : i32
      %convert_element_type3A = arith.extui %lt3A_91 : i1 to i32
      %cond3A = arith.constant 0 : i32
      %cond3A_92 = arith.cmpi ne, %convert_element_type3A, %cond3A : i32
      scf.if %cond3A_92 {
        %dma_wait3A = arith.constant 0 : i32
        %dma_wait3A_111 = arith.constant 0 : i32
        %dma_wait3A_112 = arith.constant 0 : i32
        %dma_wait3A_113 = arith.constant 0 : i32
        %dma_wait3A_114 = arith.constant 0 : i32
        %dma_wait3A_115 = tpu.memref_slice %arg7[%dma_wait3A_111, %dma_wait3A_113, %dma_wait3A_114] : memref<3x8x4096xf32, #tpu.memory_space<vmem>> -> memref<1x8x4096xf32, #tpu.memory_space<vmem>>
        %dma_wait3A_116 = tpu.memref_squeeze %dma_wait3A_115 : memref<1x8x4096xf32, #tpu.memory_space<vmem>> -> memref<8x4096xf32, #tpu.memory_space<vmem>>
        %dma_wait3A_117 = arith.constant 0 : i32
        %dma_wait3A_118 = arith.constant 0 : i32
        %dma_wait3A_119 = tpu.memref_slice %arg5[%dma_wait3A, %dma_wait3A_117, %dma_wait3A_118] : memref<1x8192x4096xf32, #tpu.memory_space<hbm>> -> memref<1x8x4096xf32, #tpu.memory_space<hbm>>
        %dma_wait3A_120 = tpu.memref_squeeze %dma_wait3A_119 : memref<1x8x4096xf32, #tpu.memory_space<hbm>> -> memref<8x4096xf32, #tpu.memory_space<hbm>>
        %dma_wait3A_121 = tpu.memref_slice %arg8[%dma_wait3A_112] : memref<3x!tpu.dma_semaphore, #tpu.memory_space<semaphore_mem>> -> memref<1x!tpu.dma_semaphore, #tpu.memory_space<semaphore_mem>>
        %dma_wait3A_122 = tpu.memref_squeeze %dma_wait3A_121 : memref<1x!tpu.dma_semaphore, #tpu.memory_space<semaphore_mem>> -> memref<!tpu.dma_semaphore, #tpu.memory_space<semaphore_mem>>
        %dma_wait3A_123 = arith.constant 0 : i32
        %dma_wait3A_124 = arith.constant 0 : i32
        %dma_wait3A_125 = tpu.memref_slice %arg7[%dma_wait3A_111, %dma_wait3A_123, %dma_wait3A_124] : memref<3x8x4096xf32, #tpu.memory_space<vmem>> -> memref<1x8x4096xf32, #tpu.memory_space<vmem>>
        %dma_wait3A_126 = tpu.memref_squeeze %dma_wait3A_125 : memref<1x8x4096xf32, #tpu.memory_space<vmem>> -> memref<8x4096xf32, #tpu.memory_space<vmem>>
        %dma_wait3A_127 = arith.constant 0 : i32
        %dma_wait3A_128 = arith.constant 0 : i32
        %dma_wait3A_129 = tpu.memref_slice %arg5[%dma_wait3A, %dma_wait3A_127, %dma_wait3A_128] : memref<1x8192x4096xf32, #tpu.memory_space<hbm>> -> memref<1x8x4096xf32, #tpu.memory_space<hbm>>
        %dma_wait3A_130 = tpu.memref_squeeze %dma_wait3A_129 : memref<1x8x4096xf32, #tpu.memory_space<hbm>> -> memref<8x4096xf32, #tpu.memory_space<hbm>>
        tpu.wait_dma2 semaphore(%dma_wait3A_122 : memref<!tpu.dma_semaphore, #tpu.memory_space<semaphore_mem>>) src(%dma_wait3A_130 : memref<8x4096xf32, #tpu.memory_space<hbm>>) dst(%dma_wait3A_126 : memref<8x4096xf32, #tpu.memory_space<vmem>>)
        %mul3A_131 = arith.constant 8 : i32
        %mul3A_132 = arith.muli %add3A_90, %mul3A_131 : i32
        %add3A_133 = arith.addi %mul3A_2, %mul3A_132 : i32
        %dma_start3A_134 = arith.constant 0 : i32
        %dma_start3A_135 = arith.constant 0 : i32
        %dma_start3A_136 = arith.constant 0 : i32
        %dma_start3A_137 = arith.constant 0 : i32
        %dma_start3A_138 = arith.constant 0 : i32
        %dma_start3A_139 = tpu.memref_slice %arg7[%dma_start3A_134, %dma_start3A_137, %dma_start3A_138] : memref<3x8x4096xf32, #tpu.memory_space<vmem>> -> memref<1x8x4096xf32, #tpu.memory_space<vmem>>
        %dma_start3A_140 = tpu.memref_squeeze %dma_start3A_139 : memref<1x8x4096xf32, #tpu.memory_space<vmem>> -> memref<8x4096xf32, #tpu.memory_space<vmem>>
        %dma_start3A_141 = arith.constant 0 : i32
        %dma_start3A_142 = tpu.memref_slice %arg5[%dma_start3A_135, %add3A_133, %dma_start3A_141] : memref<1x8192x4096xf32, #tpu.memory_space<hbm>> -> memref<1x8x4096xf32, #tpu.memory_space<hbm>>
        %dma_start3A_143 = tpu.memref_squeeze %dma_start3A_142 : memref<1x8x4096xf32, #tpu.memory_space<hbm>> -> memref<8x4096xf32, #tpu.memory_space<hbm>>
        %dma_start3A_144 = tpu.memref_slice %arg9[%dma_start3A_136] : memref<3x!tpu.dma_semaphore, #tpu.memory_space<semaphore_mem>> -> memref<1x!tpu.dma_semaphore, #tpu.memory_space<semaphore_mem>>
        %dma_start3A_145 = tpu.memref_squeeze %dma_start3A_144 : memref<1x!tpu.dma_semaphore, #tpu.memory_space<semaphore_mem>> -> memref<!tpu.dma_semaphore, #tpu.memory_space<semaphore_mem>>
        %dma_start3A_146 = arith.constant 0 : i32
        %dma_start3A_147 = tpu.memref_slice %arg5[%dma_start3A_135, %add3A_133, %dma_start3A_146] : memref<1x8192x4096xf32, #tpu.memory_space<hbm>> -> memref<1x8x4096xf32, #tpu.memory_space<hbm>>
        %dma_start3A_148 = tpu.memref_squeeze %dma_start3A_147 : memref<1x8x4096xf32, #tpu.memory_space<hbm>> -> memref<8x4096xf32, #tpu.memory_space<hbm>>
        %dma_start3A_149 = arith.constant 0 : i32
        %dma_start3A_150 = arith.constant 0 : i32
        %dma_start3A_151 = tpu.memref_slice %arg7[%dma_start3A_134, %dma_start3A_149, %dma_start3A_150] : memref<3x8x4096xf32, #tpu.memory_space<vmem>> -> memref<1x8x4096xf32, #tpu.memory_space<vmem>>
        %dma_start3A_152 = tpu.memref_squeeze %dma_start3A_151 : memref<1x8x4096xf32, #tpu.memory_space<vmem>> -> memref<8x4096xf32, #tpu.memory_space<vmem>>
        tpu.enqueue_dma source(%dma_start3A_152 : memref<8x4096xf32, #tpu.memory_space<vmem>>) target(%dma_start3A_148 : memref<8x4096xf32, #tpu.memory_space<hbm>>) target_semaphore(%dma_start3A_145 : memref<!tpu.dma_semaphore, #tpu.memory_space<semaphore_mem>>)
        %dma_wait3A_153 = arith.constant 0 : i32
        %dma_wait3A_154 = arith.constant 0 : i32
        %dma_wait3A_155 = arith.constant 0 : i32
        %dma_wait3A_156 = arith.constant 0 : i32
        %dma_wait3A_157 = arith.constant 0 : i32
        %dma_wait3A_158 = tpu.memref_slice %arg7[%dma_wait3A_153, %dma_wait3A_156, %dma_wait3A_157] : memref<3x8x4096xf32, #tpu.memory_space<vmem>> -> memref<1x8x4096xf32, #tpu.memory_space<vmem>>
        %dma_wait3A_159 = tpu.memref_squeeze %dma_wait3A_158 : memref<1x8x4096xf32, #tpu.memory_space<vmem>> -> memref<8x4096xf32, #tpu.memory_space<vmem>>
        %dma_wait3A_160 = arith.constant 0 : i32
        %dma_wait3A_161 = tpu.memref_slice %arg5[%dma_wait3A_154, %add3A_133, %dma_wait3A_160] : memref<1x8192x4096xf32, #tpu.memory_space<hbm>> -> memref<1x8x4096xf32, #tpu.memory_space<hbm>>
        %dma_wait3A_162 = tpu.memref_squeeze %dma_wait3A_161 : memref<1x8x4096xf32, #tpu.memory_space<hbm>> -> memref<8x4096xf32, #tpu.memory_space<hbm>>
        %dma_wait3A_163 = tpu.memref_slice %arg9[%dma_wait3A_155] : memref<3x!tpu.dma_semaphore, #tpu.memory_space<semaphore_mem>> -> memref<1x!tpu.dma_semaphore, #tpu.memory_space<semaphore_mem>>
        %dma_wait3A_164 = tpu.memref_squeeze %dma_wait3A_163 : memref<1x!tpu.dma_semaphore, #tpu.memory_space<semaphore_mem>> -> memref<!tpu.dma_semaphore, #tpu.memory_space<semaphore_mem>>
        %dma_wait3A_165 = arith.constant 0 : i32
        %dma_wait3A_166 = tpu.memref_slice %arg5[%dma_wait3A_154, %add3A_133, %dma_wait3A_165] : memref<1x8192x4096xf32, #tpu.memory_space<hbm>> -> memref<1x8x4096xf32, #tpu.memory_space<hbm>>
        %dma_wait3A_167 = tpu.memref_squeeze %dma_wait3A_166 : memref<1x8x4096xf32, #tpu.memory_space<hbm>> -> memref<8x4096xf32, #tpu.memory_space<hbm>>
        %dma_wait3A_168 = arith.constant 0 : i32
        %dma_wait3A_169 = arith.constant 0 : i32
        %dma_wait3A_170 = tpu.memref_slice %arg7[%dma_wait3A_153, %dma_wait3A_168, %dma_wait3A_169] : memref<3x8x4096xf32, #tpu.memory_space<vmem>> -> memref<1x8x4096xf32, #tpu.memory_space<vmem>>
        %dma_wait3A_171 = tpu.memref_squeeze %dma_wait3A_170 : memref<1x8x4096xf32, #tpu.memory_space<vmem>> -> memref<8x4096xf32, #tpu.memory_space<vmem>>
        tpu.wait_dma2 semaphore(%dma_wait3A_164 : memref<!tpu.dma_semaphore, #tpu.memory_space<semaphore_mem>>) src(%dma_wait3A_171 : memref<8x4096xf32, #tpu.memory_space<vmem>>) dst(%dma_wait3A_167 : memref<8x4096xf32, #tpu.memory_space<hbm>>)
        %add3A_172 = arith.constant 3 : i32
        %add3A_173 = arith.addi %add3A_90, %add3A_172 : i32
        %lt3A_174 = arith.constant 32 : i32
        %lt3A_175 = arith.cmpi slt, %add3A_173, %lt3A_174 : i32
        %convert_element_type3A_176 = arith.extui %lt3A_175 : i1 to i32
        %cond3A_177 = arith.constant 0 : i32
        %cond3A_178 = arith.cmpi ne, %convert_element_type3A_176, %cond3A_177 : i32
        scf.if %cond3A_178 {
          %add3A_179 = arith.constant 3 : i32
          %add3A_180 = arith.addi %add3A_90, %add3A_179 : i32
          %mul3A_181 = arith.constant 8 : i32
          %mul3A_182 = arith.muli %add3A_180, %mul3A_181 : i32
          %dma_start3A_183 = arith.constant 0 : i32
          %dma_start3A_184 = arith.constant 0 : i32
          %dma_start3A_185 = arith.constant 0 : i32
          %dma_start3A_186 = arith.constant 0 : i32
          %dma_start3A_187 = tpu.memref_slice %arg7[%dma_start3A_183, %dma_start3A_185, %dma_start3A_186] : memref<3x8x4096xf32, #tpu.memory_space<vmem>> -> memref<1x8x2048xf32, #tpu.memory_space<vmem>>
          %dma_start3A_188 = tpu.memref_squeeze %dma_start3A_187 : memref<1x8x2048xf32, #tpu.memory_space<vmem>> -> memref<8x2048xf32, #tpu.memory_space<vmem>>
          %dma_start3A_189 = tpu.memref_slice %arg6[%mul3A_182] : memref<512xi32, #tpu.memory_space<vmem>> -> memref<8xi32, #tpu.memory_space<vmem>>
          %dma_start3A_190 = arith.constant 0 : i32
          %dma_start3A_191 = arith.constant 0 : i32
          %dma_start3A_192 = tpu.memref_slice %arg2[%dma_start3A_190, %dma_start3A_191] : memref<2048x2048xf32, #tpu.memory_space<hbm>> -> memref<2048x2048xf32, #tpu.memory_space<hbm>>
          %dma_start3A_193 = tpu.memref_slice %arg8[%dma_start3A_184] : memref<3x!tpu.dma_semaphore, #tpu.memory_space<semaphore_mem>> -> memref<1x!tpu.dma_semaphore, #tpu.memory_space<semaphore_mem>>
          %dma_start3A_194 = tpu.memref_squeeze %dma_start3A_193 : memref<1x!tpu.dma_semaphore, #tpu.memory_space<semaphore_mem>> -> memref<!tpu.dma_semaphore, #tpu.memory_space<semaphore_mem>>
          tpu.enqueue_indirect_dma source(%dma_start3A_192 : memref<2048x2048xf32, #tpu.memory_space<hbm>>) target(%dma_start3A_188 : memref<8x2048xf32, #tpu.memory_space<vmem>>) offsets(%dma_start3A_189 : memref<8xi32, #tpu.memory_space<vmem>>) semaphore(%dma_start3A_194 : memref<!tpu.dma_semaphore, #tpu.memory_space<semaphore_mem>>)
          %mul3A_195 = arith.constant 8 : i32
          %mul3A_196 = arith.muli %add3A_180, %mul3A_195 : i32
          %add3A_197 = arith.constant 256 : i32
          %add3A_198 = arith.addi %add3A_197, %mul3A_196 : i32
          %dma_start3A_199 = arith.constant 0 : i32
          %dma_start3A_200 = arith.constant 0 : i32
          %dma_start3A_201 = arith.constant 0 : i32
          %dma_start3A_202 = arith.constant 2048 : i32
          %dma_start3A_203 = tpu.memref_slice %arg7[%dma_start3A_199, %dma_start3A_201, %dma_start3A_202] : memref<3x8x4096xf32, #tpu.memory_space<vmem>> -> memref<1x8x2048xf32, #tpu.memory_space<vmem>>
          %dma_start3A_204 = tpu.memref_squeeze %dma_start3A_203 : memref<1x8x2048xf32, #tpu.memory_space<vmem>> -> memref<8x2048xf32, #tpu.memory_space<vmem>>
          %dma_start3A_205 = tpu.memref_slice %arg6[%add3A_198] : memref<512xi32, #tpu.memory_space<vmem>> -> memref<8xi32, #tpu.memory_space<vmem>>
          %dma_start3A_206 = arith.constant 0 : i32
          %dma_start3A_207 = arith.constant 0 : i32
          %dma_start3A_208 = tpu.memref_slice %arg2[%dma_start3A_206, %dma_start3A_207] : memref<2048x2048xf32, #tpu.memory_space<hbm>> -> memref<2048x2048xf32, #tpu.memory_space<hbm>>
          %dma_start3A_209 = tpu.memref_slice %arg8[%dma_start3A_200] : memref<3x!tpu.dma_semaphore, #tpu.memory_space<semaphore_mem>> -> memref<1x!tpu.dma_semaphore, #tpu.memory_space<semaphore_mem>>
          %dma_start3A_210 = tpu.memref_squeeze %dma_start3A_209 : memref<1x!tpu.dma_semaphore, #tpu.memory_space<semaphore_mem>> -> memref<!tpu.dma_semaphore, #tpu.memory_space<semaphore_mem>>
          tpu.enqueue_indirect_dma source(%dma_start3A_208 : memref<2048x2048xf32, #tpu.memory_space<hbm>>) target(%dma_start3A_204 : memref<8x2048xf32, #tpu.memory_space<vmem>>) offsets(%dma_start3A_205 : memref<8xi32, #tpu.memory_space<vmem>>) semaphore(%dma_start3A_210 : memref<!tpu.dma_semaphore, #tpu.memory_space<semaphore_mem>>)
        } else {
        }
      } else {
      }
      %mul3A_93 = arith.constant 3 : i32
      %mul3A_94 = arith.muli %scan3A_86, %mul3A_93 : i32
      %add3A_95 = arith.constant 1 : i32
      %add3A_96 = arith.addi %mul3A_94, %add3A_95 : i32
      %lt3A_97 = arith.constant 32 : i32
      %lt3A_98 = arith.cmpi slt, %add3A_96, %lt3A_97 : i32
      %convert_element_type3A_99 = arith.extui %lt3A_98 : i1 to i32
      %cond3A_100 = arith.constant 0 : i32
      %cond3A_101 = arith.cmpi ne, %convert_element_type3A_99, %cond3A_100 : i32
      scf.if %cond3A_101 {
        %dma_wait3A = arith.constant 0 : i32
        %dma_wait3A_111 = arith.constant 1 : i32
        %dma_wait3A_112 = arith.constant 1 : i32
        %dma_wait3A_113 = arith.constant 0 : i32
        %dma_wait3A_114 = arith.constant 0 : i32
        %dma_wait3A_115 = tpu.memref_slice %arg7[%dma_wait3A_111, %dma_wait3A_113, %dma_wait3A_114] : memref<3x8x4096xf32, #tpu.memory_space<vmem>> -> memref<1x8x4096xf32, #tpu.memory_space<vmem>>
        %dma_wait3A_116 = tpu.memref_squeeze %dma_wait3A_115 : memref<1x8x4096xf32, #tpu.memory_space<vmem>> -> memref<8x4096xf32, #tpu.memory_space<vmem>>
        %dma_wait3A_117 = arith.constant 0 : i32
        %dma_wait3A_118 = arith.constant 0 : i32
        %dma_wait3A_119 = tpu.memref_slice %arg5[%dma_wait3A, %dma_wait3A_117, %dma_wait3A_118] : memref<1x8192x4096xf32, #tpu.memory_space<hbm>> -> memref<1x8x4096xf32, #tpu.memory_space<hbm>>
        %dma_wait3A_120 = tpu.memref_squeeze %dma_wait3A_119 : memref<1x8x4096xf32, #tpu.memory_space<hbm>> -> memref<8x4096xf32, #tpu.memory_space<hbm>>
        %dma_wait3A_121 = tpu.memref_slice %arg8[%dma_wait3A_112] : memref<3x!tpu.dma_semaphore, #tpu.memory_space<semaphore_mem>> -> memref<1x!tpu.dma_semaphore, #tpu.memory_space<semaphore_mem>>
        %dma_wait3A_122 = tpu.memref_squeeze %dma_wait3A_121 : memref<1x!tpu.dma_semaphore, #tpu.memory_space<semaphore_mem>> -> memref<!tpu.dma_semaphore, #tpu.memory_space<semaphore_mem>>
        %dma_wait3A_123 = arith.constant 0 : i32
        %dma_wait3A_124 = arith.constant 0 : i32
        %dma_wait3A_125 = tpu.memref_slice %arg7[%dma_wait3A_111, %dma_wait3A_123, %dma_wait3A_124] : memref<3x8x4096xf32, #tpu.memory_space<vmem>> -> memref<1x8x4096xf32, #tpu.memory_space<vmem>>
        %dma_wait3A_126 = tpu.memref_squeeze %dma_wait3A_125 : memref<1x8x4096xf32, #tpu.memory_space<vmem>> -> memref<8x4096xf32, #tpu.memory_space<vmem>>
        %dma_wait3A_127 = arith.constant 0 : i32
        %dma_wait3A_128 = arith.constant 0 : i32
        %dma_wait3A_129 = tpu.memref_slice %arg5[%dma_wait3A, %dma_wait3A_127, %dma_wait3A_128] : memref<1x8192x4096xf32, #tpu.memory_space<hbm>> -> memref<1x8x4096xf32, #tpu.memory_space<hbm>>
        %dma_wait3A_130 = tpu.memref_squeeze %dma_wait3A_129 : memref<1x8x4096xf32, #tpu.memory_space<hbm>> -> memref<8x4096xf32, #tpu.memory_space<hbm>>
        tpu.wait_dma2 semaphore(%dma_wait3A_122 : memref<!tpu.dma_semaphore, #tpu.memory_space<semaphore_mem>>) src(%dma_wait3A_130 : memref<8x4096xf32, #tpu.memory_space<hbm>>) dst(%dma_wait3A_126 : memref<8x4096xf32, #tpu.memory_space<vmem>>)
        %mul3A_131 = arith.constant 8 : i32
        %mul3A_132 = arith.muli %add3A_96, %mul3A_131 : i32
        %add3A_133 = arith.addi %mul3A_2, %mul3A_132 : i32
        %dma_start3A_134 = arith.constant 1 : i32
        %dma_start3A_135 = arith.constant 0 : i32
        %dma_start3A_136 = arith.constant 1 : i32
        %dma_start3A_137 = arith.constant 0 : i32
        %dma_start3A_138 = arith.constant 0 : i32
        %dma_start3A_139 = tpu.memref_slice %arg7[%dma_start3A_134, %dma_start3A_137, %dma_start3A_138] : memref<3x8x4096xf32, #tpu.memory_space<vmem>> -> memref<1x8x4096xf32, #tpu.memory_space<vmem>>
        %dma_start3A_140 = tpu.memref_squeeze %dma_start3A_139 : memref<1x8x4096xf32, #tpu.memory_space<vmem>> -> memref<8x4096xf32, #tpu.memory_space<vmem>>
        %dma_start3A_141 = arith.constant 0 : i32
        %dma_start3A_142 = tpu.memref_slice %arg5[%dma_start3A_135, %add3A_133, %dma_start3A_141] : memref<1x8192x4096xf32, #tpu.memory_space<hbm>> -> memref<1x8x4096xf32, #tpu.memory_space<hbm>>
        %dma_start3A_143 = tpu.memref_squeeze %dma_start3A_142 : memref<1x8x4096xf32, #tpu.memory_space<hbm>> -> memref<8x4096xf32, #tpu.memory_space<hbm>>
        %dma_start3A_144 = tpu.memref_slice %arg9[%dma_start3A_136] : memref<3x!tpu.dma_semaphore, #tpu.memory_space<semaphore_mem>> -> memref<1x!tpu.dma_semaphore, #tpu.memory_space<semaphore_mem>>
        %dma_start3A_145 = tpu.memref_squeeze %dma_start3A_144 : memref<1x!tpu.dma_semaphore, #tpu.memory_space<semaphore_mem>> -> memref<!tpu.dma_semaphore, #tpu.memory_space<semaphore_mem>>
        %dma_start3A_146 = arith.constant 0 : i32
        %dma_start3A_147 = tpu.memref_slice %arg5[%dma_start3A_135, %add3A_133, %dma_start3A_146] : memref<1x8192x4096xf32, #tpu.memory_space<hbm>> -> memref<1x8x4096xf32, #tpu.memory_space<hbm>>
        %dma_start3A_148 = tpu.memref_squeeze %dma_start3A_147 : memref<1x8x4096xf32, #tpu.memory_space<hbm>> -> memref<8x4096xf32, #tpu.memory_space<hbm>>
        %dma_start3A_149 = arith.constant 0 : i32
        %dma_start3A_150 = arith.constant 0 : i32
        %dma_start3A_151 = tpu.memref_slice %arg7[%dma_start3A_134, %dma_start3A_149, %dma_start3A_150] : memref<3x8x4096xf32, #tpu.memory_space<vmem>> -> memref<1x8x4096xf32, #tpu.memory_space<vmem>>
        %dma_start3A_152 = tpu.memref_squeeze %dma_start3A_151 : memref<1x8x4096xf32, #tpu.memory_space<vmem>> -> memref<8x4096xf32, #tpu.memory_space<vmem>>
        tpu.enqueue_dma source(%dma_start3A_152 : memref<8x4096xf32, #tpu.memory_space<vmem>>) target(%dma_start3A_148 : memref<8x4096xf32, #tpu.memory_space<hbm>>) target_semaphore(%dma_start3A_145 : memref<!tpu.dma_semaphore, #tpu.memory_space<semaphore_mem>>)
        %dma_wait3A_153 = arith.constant 1 : i32
        %dma_wait3A_154 = arith.constant 0 : i32
        %dma_wait3A_155 = arith.constant 1 : i32
        %dma_wait3A_156 = arith.constant 0 : i32
        %dma_wait3A_157 = arith.constant 0 : i32
        %dma_wait3A_158 = tpu.memref_slice %arg7[%dma_wait3A_153, %dma_wait3A_156, %dma_wait3A_157] : memref<3x8x4096xf32, #tpu.memory_space<vmem>> -> memref<1x8x4096xf32, #tpu.memory_space<vmem>>
        %dma_wait3A_159 = tpu.memref_squeeze %dma_wait3A_158 : memref<1x8x4096xf32, #tpu.memory_space<vmem>> -> memref<8x4096xf32, #tpu.memory_space<vmem>>
        %dma_wait3A_160 = arith.constant 0 : i32
        %dma_wait3A_161 = tpu.memref_slice %arg5[%dma_wait3A_154, %add3A_133, %dma_wait3A_160] : memref<1x8192x4096xf32, #tpu.memory_space<hbm>> -> memref<1x8x4096xf32, #tpu.memory_space<hbm>>
        %dma_wait3A_162 = tpu.memref_squeeze %dma_wait3A_161 : memref<1x8x4096xf32, #tpu.memory_space<hbm>> -> memref<8x4096xf32, #tpu.memory_space<hbm>>
        %dma_wait3A_163 = tpu.memref_slice %arg9[%dma_wait3A_155] : memref<3x!tpu.dma_semaphore, #tpu.memory_space<semaphore_mem>> -> memref<1x!tpu.dma_semaphore, #tpu.memory_space<semaphore_mem>>
        %dma_wait3A_164 = tpu.memref_squeeze %dma_wait3A_163 : memref<1x!tpu.dma_semaphore, #tpu.memory_space<semaphore_mem>> -> memref<!tpu.dma_semaphore, #tpu.memory_space<semaphore_mem>>
        %dma_wait3A_165 = arith.constant 0 : i32
        %dma_wait3A_166 = tpu.memref_slice %arg5[%dma_wait3A_154, %add3A_133, %dma_wait3A_165] : memref<1x8192x4096xf32, #tpu.memory_space<hbm>> -> memref<1x8x4096xf32, #tpu.memory_space<hbm>>
        %dma_wait3A_167 = tpu.memref_squeeze %dma_wait3A_166 : memref<1x8x4096xf32, #tpu.memory_space<hbm>> -> memref<8x4096xf32, #tpu.memory_space<hbm>>
        %dma_wait3A_168 = arith.constant 0 : i32
        %dma_wait3A_169 = arith.constant 0 : i32
        %dma_wait3A_170 = tpu.memref_slice %arg7[%dma_wait3A_153, %dma_wait3A_168, %dma_wait3A_169] : memref<3x8x4096xf32, #tpu.memory_space<vmem>> -> memref<1x8x4096xf32, #tpu.memory_space<vmem>>
        %dma_wait3A_171 = tpu.memref_squeeze %dma_wait3A_170 : memref<1x8x4096xf32, #tpu.memory_space<vmem>> -> memref<8x4096xf32, #tpu.memory_space<vmem>>
        tpu.wait_dma2 semaphore(%dma_wait3A_164 : memref<!tpu.dma_semaphore, #tpu.memory_space<semaphore_mem>>) src(%dma_wait3A_171 : memref<8x4096xf32, #tpu.memory_space<vmem>>) dst(%dma_wait3A_167 : memref<8x4096xf32, #tpu.memory_space<hbm>>)
        %add3A_172 = arith.constant 3 : i32
        %add3A_173 = arith.addi %add3A_96, %add3A_172 : i32
        %lt3A_174 = arith.constant 32 : i32
        %lt3A_175 = arith.cmpi slt, %add3A_173, %lt3A_174 : i32
        %convert_element_type3A_176 = arith.extui %lt3A_175 : i1 to i32
        %cond3A_177 = arith.constant 0 : i32
        %cond3A_178 = arith.cmpi ne, %convert_element_type3A_176, %cond3A_177 : i32
        scf.if %cond3A_178 {
          %add3A_179 = arith.constant 3 : i32
          %add3A_180 = arith.addi %add3A_96, %add3A_179 : i32
          %mul3A_181 = arith.constant 8 : i32
          %mul3A_182 = arith.muli %add3A_180, %mul3A_181 : i32
          %dma_start3A_183 = arith.constant 1 : i32
          %dma_start3A_184 = arith.constant 1 : i32
          %dma_start3A_185 = arith.constant 0 : i32
          %dma_start3A_186 = arith.constant 0 : i32
          %dma_start3A_187 = tpu.memref_slice %arg7[%dma_start3A_183, %dma_start3A_185, %dma_start3A_186] : memref<3x8x4096xf32, #tpu.memory_space<vmem>> -> memref<1x8x2048xf32, #tpu.memory_space<vmem>>
          %dma_start3A_188 = tpu.memref_squeeze %dma_start3A_187 : memref<1x8x2048xf32, #tpu.memory_space<vmem>> -> memref<8x2048xf32, #tpu.memory_space<vmem>>
          %dma_start3A_189 = tpu.memref_slice %arg6[%mul3A_182] : memref<512xi32, #tpu.memory_space<vmem>> -> memref<8xi32, #tpu.memory_space<vmem>>
          %dma_start3A_190 = arith.constant 0 : i32
          %dma_start3A_191 = arith.constant 0 : i32
          %dma_start3A_192 = tpu.memref_slice %arg2[%dma_start3A_190, %dma_start3A_191] : memref<2048x2048xf32, #tpu.memory_space<hbm>> -> memref<2048x2048xf32, #tpu.memory_space<hbm>>
          %dma_start3A_193 = tpu.memref_slice %arg8[%dma_start3A_184] : memref<3x!tpu.dma_semaphore, #tpu.memory_space<semaphore_mem>> -> memref<1x!tpu.dma_semaphore, #tpu.memory_space<semaphore_mem>>
          %dma_start3A_194 = tpu.memref_squeeze %dma_start3A_193 : memref<1x!tpu.dma_semaphore, #tpu.memory_space<semaphore_mem>> -> memref<!tpu.dma_semaphore, #tpu.memory_space<semaphore_mem>>
          tpu.enqueue_indirect_dma source(%dma_start3A_192 : memref<2048x2048xf32, #tpu.memory_space<hbm>>) target(%dma_start3A_188 : memref<8x2048xf32, #tpu.memory_space<vmem>>) offsets(%dma_start3A_189 : memref<8xi32, #tpu.memory_space<vmem>>) semaphore(%dma_start3A_194 : memref<!tpu.dma_semaphore, #tpu.memory_space<semaphore_mem>>)
          %mul3A_195 = arith.constant 8 : i32
          %mul3A_196 = arith.muli %add3A_180, %mul3A_195 : i32
          %add3A_197 = arith.constant 256 : i32
          %add3A_198 = arith.addi %add3A_197, %mul3A_196 : i32
          %dma_start3A_199 = arith.constant 1 : i32
          %dma_start3A_200 = arith.constant 1 : i32
          %dma_start3A_201 = arith.constant 0 : i32
          %dma_start3A_202 = arith.constant 2048 : i32
          %dma_start3A_203 = tpu.memref_slice %arg7[%dma_start3A_199, %dma_start3A_201, %dma_start3A_202] : memref<3x8x4096xf32, #tpu.memory_space<vmem>> -> memref<1x8x2048xf32, #tpu.memory_space<vmem>>
          %dma_start3A_204 = tpu.memref_squeeze %dma_start3A_203 : memref<1x8x2048xf32, #tpu.memory_space<vmem>> -> memref<8x2048xf32, #tpu.memory_space<vmem>>
          %dma_start3A_205 = tpu.memref_slice %arg6[%add3A_198] : memref<512xi32, #tpu.memory_space<vmem>> -> memref<8xi32, #tpu.memory_space<vmem>>
          %dma_start3A_206 = arith.constant 0 : i32
          %dma_start3A_207 = arith.constant 0 : i32
          %dma_start3A_208 = tpu.memref_slice %arg2[%dma_start3A_206, %dma_start3A_207] : memref<2048x2048xf32, #tpu.memory_space<hbm>> -> memref<2048x2048xf32, #tpu.memory_space<hbm>>
          %dma_start3A_209 = tpu.memref_slice %arg8[%dma_start3A_200] : memref<3x!tpu.dma_semaphore, #tpu.memory_space<semaphore_mem>> -> memref<1x!tpu.dma_semaphore, #tpu.memory_space<semaphore_mem>>
          %dma_start3A_210 = tpu.memref_squeeze %dma_start3A_209 : memref<1x!tpu.dma_semaphore, #tpu.memory_space<semaphore_mem>> -> memref<!tpu.dma_semaphore, #tpu.memory_space<semaphore_mem>>
          tpu.enqueue_indirect_dma source(%dma_start3A_208 : memref<2048x2048xf32, #tpu.memory_space<hbm>>) target(%dma_start3A_204 : memref<8x2048xf32, #tpu.memory_space<vmem>>) offsets(%dma_start3A_205 : memref<8xi32, #tpu.memory_space<vmem>>) semaphore(%dma_start3A_210 : memref<!tpu.dma_semaphore, #tpu.memory_space<semaphore_mem>>)
        } else {
        }
      } else {
      }
      %mul3A_102 = arith.constant 3 : i32
      %mul3A_103 = arith.muli %scan3A_86, %mul3A_102 : i32
      %add3A_104 = arith.constant 2 : i32
      %add3A_105 = arith.addi %mul3A_103, %add3A_104 : i32
      %lt3A_106 = arith.constant 32 : i32
      %lt3A_107 = arith.cmpi slt, %add3A_105, %lt3A_106 : i32
      %convert_element_type3A_108 = arith.extui %lt3A_107 : i1 to i32
      %cond3A_109 = arith.constant 0 : i32
      %cond3A_110 = arith.cmpi ne, %convert_element_type3A_108, %cond3A_109 : i32
      scf.if %cond3A_110 {
        %dma_wait3A = arith.constant 0 : i32
        %dma_wait3A_111 = arith.constant 2 : i32
        %dma_wait3A_112 = arith.constant 2 : i32
        %dma_wait3A_113 = arith.constant 0 : i32
        %dma_wait3A_114 = arith.constant 0 : i32
        %dma_wait3A_115 = tpu.memref_slice %arg7[%dma_wait3A_111, %dma_wait3A_113, %dma_wait3A_114] : memref<3x8x4096xf32, #tpu.memory_space<vmem>> -> memref<1x8x4096xf32, #tpu.memory_space<vmem>>
        %dma_wait3A_116 = tpu.memref_squeeze %dma_wait3A_115 : memref<1x8x4096xf32, #tpu.memory_space<vmem>> -> memref<8x4096xf32, #tpu.memory_space<vmem>>
        %dma_wait3A_117 = arith.constant 0 : i32
        %dma_wait3A_118 = arith.constant 0 : i32
        %dma_wait3A_119 = tpu.memref_slice %arg5[%dma_wait3A, %dma_wait3A_117, %dma_wait3A_118] : memref<1x8192x4096xf32, #tpu.memory_space<hbm>> -> memref<1x8x4096xf32, #tpu.memory_space<hbm>>
        %dma_wait3A_120 = tpu.memref_squeeze %dma_wait3A_119 : memref<1x8x4096xf32, #tpu.memory_space<hbm>> -> memref<8x4096xf32, #tpu.memory_space<hbm>>
        %dma_wait3A_121 = tpu.memref_slice %arg8[%dma_wait3A_112] : memref<3x!tpu.dma_semaphore, #tpu.memory_space<semaphore_mem>> -> memref<1x!tpu.dma_semaphore, #tpu.memory_space<semaphore_mem>>
        %dma_wait3A_122 = tpu.memref_squeeze %dma_wait3A_121 : memref<1x!tpu.dma_semaphore, #tpu.memory_space<semaphore_mem>> -> memref<!tpu.dma_semaphore, #tpu.memory_space<semaphore_mem>>
        %dma_wait3A_123 = arith.constant 0 : i32
        %dma_wait3A_124 = arith.constant 0 : i32
        %dma_wait3A_125 = tpu.memref_slice %arg7[%dma_wait3A_111, %dma_wait3A_123, %dma_wait3A_124] : memref<3x8x4096xf32, #tpu.memory_space<vmem>> -> memref<1x8x4096xf32, #tpu.memory_space<vmem>>
        %dma_wait3A_126 = tpu.memref_squeeze %dma_wait3A_125 : memref<1x8x4096xf32, #tpu.memory_space<vmem>> -> memref<8x4096xf32, #tpu.memory_space<vmem>>
        %dma_wait3A_127 = arith.constant 0 : i32
        %dma_wait3A_128 = arith.constant 0 : i32
        %dma_wait3A_129 = tpu.memref_slice %arg5[%dma_wait3A, %dma_wait3A_127, %dma_wait3A_128] : memref<1x8192x4096xf32, #tpu.memory_space<hbm>> -> memref<1x8x4096xf32, #tpu.memory_space<hbm>>
        %dma_wait3A_130 = tpu.memref_squeeze %dma_wait3A_129 : memref<1x8x4096xf32, #tpu.memory_space<hbm>> -> memref<8x4096xf32, #tpu.memory_space<hbm>>
        tpu.wait_dma2 semaphore(%dma_wait3A_122 : memref<!tpu.dma_semaphore, #tpu.memory_space<semaphore_mem>>) src(%dma_wait3A_130 : memref<8x4096xf32, #tpu.memory_space<hbm>>) dst(%dma_wait3A_126 : memref<8x4096xf32, #tpu.memory_space<vmem>>)
        %mul3A_131 = arith.constant 8 : i32
        %mul3A_132 = arith.muli %add3A_105, %mul3A_131 : i32
        %add3A_133 = arith.addi %mul3A_2, %mul3A_132 : i32
        %dma_start3A_134 = arith.constant 2 : i32
        %dma_start3A_135 = arith.constant 0 : i32
        %dma_start3A_136 = arith.constant 2 : i32
        %dma_start3A_137 = arith.constant 0 : i32
        %dma_start3A_138 = arith.constant 0 : i32
        %dma_start3A_139 = tpu.memref_slice %arg7[%dma_start3A_134, %dma_start3A_137, %dma_start3A_138] : memref<3x8x4096xf32, #tpu.memory_space<vmem>> -> memref<1x8x4096xf32, #tpu.memory_space<vmem>>
        %dma_start3A_140 = tpu.memref_squeeze %dma_start3A_139 : memref<1x8x4096xf32, #tpu.memory_space<vmem>> -> memref<8x4096xf32, #tpu.memory_space<vmem>>
        %dma_start3A_141 = arith.constant 0 : i32
        %dma_start3A_142 = tpu.memref_slice %arg5[%dma_start3A_135, %add3A_133, %dma_start3A_141] : memref<1x8192x4096xf32, #tpu.memory_space<hbm>> -> memref<1x8x4096xf32, #tpu.memory_space<hbm>>
        %dma_start3A_143 = tpu.memref_squeeze %dma_start3A_142 : memref<1x8x4096xf32, #tpu.memory_space<hbm>> -> memref<8x4096xf32, #tpu.memory_space<hbm>>
        %dma_start3A_144 = tpu.memref_slice %arg9[%dma_start3A_136] : memref<3x!tpu.dma_semaphore, #tpu.memory_space<semaphore_mem>> -> memref<1x!tpu.dma_semaphore, #tpu.memory_space<semaphore_mem>>
        %dma_start3A_145 = tpu.memref_squeeze %dma_start3A_144 : memref<1x!tpu.dma_semaphore, #tpu.memory_space<semaphore_mem>> -> memref<!tpu.dma_semaphore, #tpu.memory_space<semaphore_mem>>
        %dma_start3A_146 = arith.constant 0 : i32
        %dma_start3A_147 = tpu.memref_slice %arg5[%dma_start3A_135, %add3A_133, %dma_start3A_146] : memref<1x8192x4096xf32, #tpu.memory_space<hbm>> -> memref<1x8x4096xf32, #tpu.memory_space<hbm>>
        %dma_start3A_148 = tpu.memref_squeeze %dma_start3A_147 : memref<1x8x4096xf32, #tpu.memory_space<hbm>> -> memref<8x4096xf32, #tpu.memory_space<hbm>>
        %dma_start3A_149 = arith.constant 0 : i32
        %dma_start3A_150 = arith.constant 0 : i32
        %dma_start3A_151 = tpu.memref_slice %arg7[%dma_start3A_134, %dma_start3A_149, %dma_start3A_150] : memref<3x8x4096xf32, #tpu.memory_space<vmem>> -> memref<1x8x4096xf32, #tpu.memory_space<vmem>>
        %dma_start3A_152 = tpu.memref_squeeze %dma_start3A_151 : memref<1x8x4096xf32, #tpu.memory_space<vmem>> -> memref<8x4096xf32, #tpu.memory_space<vmem>>
        tpu.enqueue_dma source(%dma_start3A_152 : memref<8x4096xf32, #tpu.memory_space<vmem>>) target(%dma_start3A_148 : memref<8x4096xf32, #tpu.memory_space<hbm>>) target_semaphore(%dma_start3A_145 : memref<!tpu.dma_semaphore, #tpu.memory_space<semaphore_mem>>)
        %dma_wait3A_153 = arith.constant 2 : i32
        %dma_wait3A_154 = arith.constant 0 : i32
        %dma_wait3A_155 = arith.constant 2 : i32
        %dma_wait3A_156 = arith.constant 0 : i32
        %dma_wait3A_157 = arith.constant 0 : i32
        %dma_wait3A_158 = tpu.memref_slice %arg7[%dma_wait3A_153, %dma_wait3A_156, %dma_wait3A_157] : memref<3x8x4096xf32, #tpu.memory_space<vmem>> -> memref<1x8x4096xf32, #tpu.memory_space<vmem>>
        %dma_wait3A_159 = tpu.memref_squeeze %dma_wait3A_158 : memref<1x8x4096xf32, #tpu.memory_space<vmem>> -> memref<8x4096xf32, #tpu.memory_space<vmem>>
        %dma_wait3A_160 = arith.constant 0 : i32
        %dma_wait3A_161 = tpu.memref_slice %arg5[%dma_wait3A_154, %add3A_133, %dma_wait3A_160] : memref<1x8192x4096xf32, #tpu.memory_space<hbm>> -> memref<1x8x4096xf32, #tpu.memory_space<hbm>>
        %dma_wait3A_162 = tpu.memref_squeeze %dma_wait3A_161 : memref<1x8x4096xf32, #tpu.memory_space<hbm>> -> memref<8x4096xf32, #tpu.memory_space<hbm>>
        %dma_wait3A_163 = tpu.memref_slice %arg9[%dma_wait3A_155] : memref<3x!tpu.dma_semaphore, #tpu.memory_space<semaphore_mem>> -> memref<1x!tpu.dma_semaphore, #tpu.memory_space<semaphore_mem>>
        %dma_wait3A_164 = tpu.memref_squeeze %dma_wait3A_163 : memref<1x!tpu.dma_semaphore, #tpu.memory_space<semaphore_mem>> -> memref<!tpu.dma_semaphore, #tpu.memory_space<semaphore_mem>>
        %dma_wait3A_165 = arith.constant 0 : i32
        %dma_wait3A_166 = tpu.memref_slice %arg5[%dma_wait3A_154, %add3A_133, %dma_wait3A_165] : memref<1x8192x4096xf32, #tpu.memory_space<hbm>> -> memref<1x8x4096xf32, #tpu.memory_space<hbm>>
        %dma_wait3A_167 = tpu.memref_squeeze %dma_wait3A_166 : memref<1x8x4096xf32, #tpu.memory_space<hbm>> -> memref<8x4096xf32, #tpu.memory_space<hbm>>
        %dma_wait3A_168 = arith.constant 0 : i32
        %dma_wait3A_169 = arith.constant 0 : i32
        %dma_wait3A_170 = tpu.memref_slice %arg7[%dma_wait3A_153, %dma_wait3A_168, %dma_wait3A_169] : memref<3x8x4096xf32, #tpu.memory_space<vmem>> -> memref<1x8x4096xf32, #tpu.memory_space<vmem>>
        %dma_wait3A_171 = tpu.memref_squeeze %dma_wait3A_170 : memref<1x8x4096xf32, #tpu.memory_space<vmem>> -> memref<8x4096xf32, #tpu.memory_space<vmem>>
        tpu.wait_dma2 semaphore(%dma_wait3A_164 : memref<!tpu.dma_semaphore, #tpu.memory_space<semaphore_mem>>) src(%dma_wait3A_171 : memref<8x4096xf32, #tpu.memory_space<vmem>>) dst(%dma_wait3A_167 : memref<8x4096xf32, #tpu.memory_space<hbm>>)
        %add3A_172 = arith.constant 3 : i32
        %add3A_173 = arith.addi %add3A_105, %add3A_172 : i32
        %lt3A_174 = arith.constant 32 : i32
        %lt3A_175 = arith.cmpi slt, %add3A_173, %lt3A_174 : i32
        %convert_element_type3A_176 = arith.extui %lt3A_175 : i1 to i32
        %cond3A_177 = arith.constant 0 : i32
        %cond3A_178 = arith.cmpi ne, %convert_element_type3A_176, %cond3A_177 : i32
        scf.if %cond3A_178 {
          %add3A_179 = arith.constant 3 : i32
          %add3A_180 = arith.addi %add3A_105, %add3A_179 : i32
          %mul3A_181 = arith.constant 8 : i32
          %mul3A_182 = arith.muli %add3A_180, %mul3A_181 : i32
          %dma_start3A_183 = arith.constant 2 : i32
          %dma_start3A_184 = arith.constant 2 : i32
          %dma_start3A_185 = arith.constant 0 : i32
          %dma_start3A_186 = arith.constant 0 : i32
          %dma_start3A_187 = tpu.memref_slice %arg7[%dma_start3A_183, %dma_start3A_185, %dma_start3A_186] : memref<3x8x4096xf32, #tpu.memory_space<vmem>> -> memref<1x8x2048xf32, #tpu.memory_space<vmem>>
          %dma_start3A_188 = tpu.memref_squeeze %dma_start3A_187 : memref<1x8x2048xf32, #tpu.memory_space<vmem>> -> memref<8x2048xf32, #tpu.memory_space<vmem>>
          %dma_start3A_189 = tpu.memref_slice %arg6[%mul3A_182] : memref<512xi32, #tpu.memory_space<vmem>> -> memref<8xi32, #tpu.memory_space<vmem>>
          %dma_start3A_190 = arith.constant 0 : i32
          %dma_start3A_191 = arith.constant 0 : i32
          %dma_start3A_192 = tpu.memref_slice %arg2[%dma_start3A_190, %dma_start3A_191] : memref<2048x2048xf32, #tpu.memory_space<hbm>> -> memref<2048x2048xf32, #tpu.memory_space<hbm>>
          %dma_start3A_193 = tpu.memref_slice %arg8[%dma_start3A_184] : memref<3x!tpu.dma_semaphore, #tpu.memory_space<semaphore_mem>> -> memref<1x!tpu.dma_semaphore, #tpu.memory_space<semaphore_mem>>
          %dma_start3A_194 = tpu.memref_squeeze %dma_start3A_193 : memref<1x!tpu.dma_semaphore, #tpu.memory_space<semaphore_mem>> -> memref<!tpu.dma_semaphore, #tpu.memory_space<semaphore_mem>>
          tpu.enqueue_indirect_dma source(%dma_start3A_192 : memref<2048x2048xf32, #tpu.memory_space<hbm>>) target(%dma_start3A_188 : memref<8x2048xf32, #tpu.memory_space<vmem>>) offsets(%dma_start3A_189 : memref<8xi32, #tpu.memory_space<vmem>>) semaphore(%dma_start3A_194 : memref<!tpu.dma_semaphore, #tpu.memory_space<semaphore_mem>>)
          %mul3A_195 = arith.constant 8 : i32
          %mul3A_196 = arith.muli %add3A_180, %mul3A_195 : i32
          %add3A_197 = arith.constant 256 : i32
          %add3A_198 = arith.addi %add3A_197, %mul3A_196 : i32
          %dma_start3A_199 = arith.constant 2 : i32
          %dma_start3A_200 = arith.constant 2 : i32
          %dma_start3A_201 = arith.constant 0 : i32
          %dma_start3A_202 = arith.constant 2048 : i32
          %dma_start3A_203 = tpu.memref_slice %arg7[%dma_start3A_199, %dma_start3A_201, %dma_start3A_202] : memref<3x8x4096xf32, #tpu.memory_space<vmem>> -> memref<1x8x2048xf32, #tpu.memory_space<vmem>>
          %dma_start3A_204 = tpu.memref_squeeze %dma_start3A_203 : memref<1x8x2048xf32, #tpu.memory_space<vmem>> -> memref<8x2048xf32, #tpu.memory_space<vmem>>
          %dma_start3A_205 = tpu.memref_slice %arg6[%add3A_198] : memref<512xi32, #tpu.memory_space<vmem>> -> memref<8xi32, #tpu.memory_space<vmem>>
          %dma_start3A_206 = arith.constant 0 : i32
          %dma_start3A_207 = arith.constant 0 : i32
          %dma_start3A_208 = tpu.memref_slice %arg2[%dma_start3A_206, %dma_start3A_207] : memref<2048x2048xf32, #tpu.memory_space<hbm>> -> memref<2048x2048xf32, #tpu.memory_space<hbm>>
          %dma_start3A_209 = tpu.memref_slice %arg8[%dma_start3A_200] : memref<3x!tpu.dma_semaphore, #tpu.memory_space<semaphore_mem>> -> memref<1x!tpu.dma_semaphore, #tpu.memory_space<semaphore_mem>>
          %dma_start3A_210 = tpu.memref_squeeze %dma_start3A_209 : memref<1x!tpu.dma_semaphore, #tpu.memory_space<semaphore_mem>> -> memref<!tpu.dma_semaphore, #tpu.memory_space<semaphore_mem>>
          tpu.enqueue_indirect_dma source(%dma_start3A_208 : memref<2048x2048xf32, #tpu.memory_space<hbm>>) target(%dma_start3A_204 : memref<8x2048xf32, #tpu.memory_space<vmem>>) offsets(%dma_start3A_205 : memref<8xi32, #tpu.memory_space<vmem>>) semaphore(%dma_start3A_210 : memref<!tpu.dma_semaphore, #tpu.memory_space<semaphore_mem>>)
        } else {
        }
      } else {
      }
    }
    %scan3A_85 = arith.constant 11 : i32
    return
  }
}

</mosaic_0001>

<sc_bundles>
// kernel: kernel.3.cloned.1.call-start
scs
__scs_entry_jumppad:
0x0: {  	(pc) =	sbr.rel $0x88, $3  }
0x1: {  	(tag) =	ssettag $0x0;
	lr =	simm.s32 $0x1  }
0x2: {  	[smem:$0x3F9E] =	sst lr;
	_ =	strace $0xD0000000  }
0x3: {  	_ = 	snop  }
0x4: {  	_ = 	snop  }
0x5: {  	_ = 	snop  }
0x6: {  	_ = 	snop  }
0x7: {  	_ = 	snop  }
__scs_overlays_trampoline_lowered:
0x8: {  	[smem:$0x3FAD] =	sst s0  }
0x9: {  	[smem:$0x3FAE] =	sst s1  }
0xa: {  	[smem:$0x3FAF] =	sst s2  }
0xb: {  	[smem:$0x3FB0] =	sst s3  }
0xc: {  	[smem:$0x3FB1] =	sst s4  }
0xd: {  	[smem:$0x3FB2] =	sst s5  }
0xe: {  	[smem:$0x3FB3] =	sst s6  }
0xf: {  	[smem:$0x3FB4] =	sst s7  }
0x10: {  	[smem:$0x3FB5] =	sst s8  }
0x11: {  	[smem:$0x3FB6] =	sst s9;
	s0 =	simm.s32 @!p0 $0x0  }
0x12: {  	s1 =	sld [smem:$0x3F9C];
	s0 =	simm.s32 @p0 $0x1  }
0x13: {  	[smem:$0x3FB7] =	sst s0;
	s0 =	simm.s32 @!p1 $0x0  }
0x14: {  	s2 =	sld [smem:$0x3F9B];
	s0 =	simm.s32 @p1 $0x1  }
0x15: {  	[smem:$0x3FB8] =	sst s0;
	s0 =	simm.s32 @!p2 $0x0  }
0x16: {  	s3 =	sld [smem:$0x3FDB];
	s0 =	simm.s32 @p2 $0x1  }
0x17: {  	s4 =	simm.s32 $0x1BF5;
	[smem:$0x3FBA] =	sst s0  }
0x18: {  	s0 =	sld [smem:$0x3F9D];
	_ =	swait.ge [sflag:s4], $0x0  }
0x19: {  	s7 =	sld [smem:$0x3F9E]  }
0x1a: {  	s8 =	sadd.s32 $0xFFFFE003, lr  }
0x1b: {  	s9 =	sadd.s32 $0xFFFFFEF7, lr;
	s5 =	simm.s32 $0xFFFFFFFF;
	p2 =	slt.u32 s8, $0xFFFFF086  }
0x1c: {  	p1 =	slt.u32 s9, $0xF7A;
	s5 =	simm.s32 @!p2 $0x0  }
0x1d: {  	s5 =	simm.s32 @p1 $0x1;
	p0 =	seq.s32 s7, s2  }
0x1e: {  	s7 =	smul.u32 @!p0 $0xF7A, s2;
	p2 =	seq.s32 @!p0 s5, $0x0  }
0x1f: {  	s9 =	smul.u32 $0xF7A, s1;
	s8 =	simm.s32 @!p0 $0x1BF5;
	p2 =	por !p2, p0  }
0x20: {  	[sflag:s8] =	ssyncset.s32 @!p0 $0xFFFFF086;
	s6 =	sadd.s32 @!p0 s3, s7;
	s7 =	simm.s32 @!p0 $0x108  }
0x21: {  	s3 =	sadd.s32 s3, s9;
	s6 =	sadd.s32 @!p0 $0x88, s6;
	s7 =	simm.s32 @p2 $0x1082  }
0x22: {  	[simem:s7], [sflag:s8] =	dma.local @!p0 [hbm:s6], $0xF7A  }
0x23: {  	s9 =	sor.u32 $0xD0000000, s2;
	s6 =	simm.s32 $0x108;
	_ =	swait.ge @!p0 [sflag:s8], $0x0  }
0x24: {  	s3 =	sadd.s32 $0x88, s3;
	s6 =	simm.s32 @!p1 $0x1082;
	[sflag:s4] =	ssyncset.s32 $0xFFFFF086  }
0x25: {  	[simem:s6], [sflag:s4] =	dma.local [hbm:s3], $0xF7A  }
0x26: {  	[smem:$0x3F9E] =	sst s1;
	(tag) =	ssettag s2;
	_ =	strace s9  }
0x27: {  	s1 =	sld [smem:$0x3FAE]  }
0x28: {  	s2 =	sld [smem:$0x3FAF]  }
0x29: {  	s4 =	sld [smem:$0x3FB1]  }
0x2a: {  	p0 =	seq.s32 s5, $0x0;
	s5 =	sld [smem:$0x3FB2]  }
0x2b: {  	s6 =	sld [smem:$0x3FB3]  }
0x2c: {  	s7 =	sld [smem:$0x3FB4]  }
0x2d: {  	s3 =	simm.s32 $0x108;
	s8 =	sld [smem:$0x3FB5]  }
0x2e: {  	s3 =	simm.s32 @!p0 $0x1082;
	s9 =	sld [smem:$0x3FB6]  }
0x2f: {  	lr =	sadd.s32 s0, s3;
	s0 =	sld [smem:$0x3FAD]  }
0x30: {  	s3 =	sld [smem:$0x3FB0]  }
0x31: {  	[smem:$0x3FB9] =	sst s10  }
0x32: {  	s10 =	sld [smem:$0x3FB7];
	_ =	sdelay $0x3  }
0x33: {  	p0 =	seq.s32 s10, $0x1;
	s10 =	sld [smem:$0x3FB9];
	_ =	sdelay $0x3  }
0x34: {  	[smem:$0x3FB9] =	sst s10  }
0x35: {  	s10 =	sld [smem:$0x3FB8];
	_ =	sdelay $0x3  }
0x36: {  	p1 =	seq.s32 s10, $0x1;
	s10 =	sld [smem:$0x3FB9];
	_ =	sdelay $0x3  }
0x37: {  	[smem:$0x3FB9] =	sst s10  }
0x38: {  	s10 =	sld [smem:$0x3FBA]  }
0x39: {  	_ = 	snop;
	(pc) =	sbr.ind lr, $3  }
0x3a: {  	_ = 	snop  }
0x3b: {  	_ = 	snop  }
0x3c: {  	p2 =	seq.s32 s10, $0x1;
	s10 =	sld [smem:$0x3FB9]  }
0x3d: {  	_ =	shalt  }
0x3e: {  	_ =	shalt  }
0x3f: {  	_ =	shalt  }
0x40: {  	_ =	shalt  }
0x41: {  	_ =	shalt  }
0x42: {  	_ =	shalt  }
0x43: {  	_ =	shalt  }
0x44: {  	_ =	shalt  }
0x45: {  	_ =	shalt  }
0x46: {  	_ =	shalt  }
0x47: {  	_ =	shalt  }
0x48: {  	_ =	shalt  }
0x49: {  	_ =	shalt  }
0x4a: {  	_ =	shalt  }
0x4b: {  	_ =	shalt  }
0x4c: {  	_ =	shalt  }
0x4d: {  	_ =	shalt  }
0x4e: {  	_ =	shalt  }
0x4f: {  	_ =	shalt  }
0x50: {  	_ =	shalt  }
0x51: {  	_ =	shalt  }
0x52: {  	_ =	shalt  }
0x53: {  	_ =	shalt  }
0x54: {  	_ =	shalt  }
0x55: {  	_ =	shalt  }
0x56: {  	_ =	shalt  }
0x57: {  	_ =	shalt  }
0x58: {  	_ =	shalt  }
0x59: {  	_ =	shalt  }
0x5a: {  	_ =	shalt  }
0x5b: {  	_ =	shalt  }
0x5c: {  	_ =	shalt  }
0x5d: {  	_ =	shalt  }
0x5e: {  	_ =	shalt  }
0x5f: {  	_ =	shalt  }
0x60: {  	_ =	shalt  }
0x61: {  	_ =	shalt  }
0x62: {  	_ =	shalt  }
0x63: {  	_ =	shalt  }
0x64: {  	_ =	shalt  }
0x65: {  	_ =	shalt  }
0x66: {  	_ =	shalt  }
0x67: {  	_ =	shalt  }
0x68: {  	_ =	shalt  }
0x69: {  	_ =	shalt  }
0x6a: {  	_ =	shalt  }
0x6b: {  	_ =	shalt  }
0x6c: {  	_ =	shalt  }
0x6d: {  	_ =	shalt  }
0x6e: {  	_ =	shalt  }
0x6f: {  	_ =	shalt  }
0x70: {  	_ =	shalt  }
0x71: {  	_ =	shalt  }
0x72: {  	_ =	shalt  }
0x73: {  	_ =	shalt  }
0x74: {  	_ =	shalt  }
0x75: {  	_ =	shalt  }
0x76: {  	_ =	shalt  }
0x77: {  	_ =	shalt  }
0x78: {  	_ =	shalt  }
0x79: {  	_ =	shalt  }
0x7a: {  	_ =	shalt  }
0x7b: {  	_ =	shalt  }
0x7c: {  	_ =	shalt  }
0x7d: {  	_ =	shalt  }
0x7e: {  	_ =	shalt  }
0x7f: {  	_ =	shalt  }
0x80: {  	_ =	shalt  }
0x81: {  	_ =	shalt  }
0x82: {  	_ =	shalt  }
0x83: {  	_ =	shalt  }
0x84: {  	_ =	shalt  }
0x85: {  	_ =	shalt  }
0x86: {  	_ =	shalt  }
0x87: {  	_ =	shalt  }
.Lfunc_end0:
.L_simem_size_0:
called_computation_lowered:
.L_overlay_start_0:
0x88: {  	s2 =	sld [smem:$0x3FD9]  }
0x89: {  	s3 =	sld [smem:$0x3FFE];
	_ =	sdelay $0x1  }
0x8a: {  	s1 =	srdreg.scid  }
0x8b: {  	s0 =	sand.u32 $0x1, s1  }
0x8c: {  	s18 =	sshll.u32 s0, $0xA;
	s2 =	sadd.s32 s3, s2  }
0x8d: {  	s2 =	sadd.s32 s2, s18  }
0x8e: {  	[smem:$0x3FC5] =	sst s2  }
0x8f: {  	_ = 	snop  }
0x90: {  	s2 =	sld [smem:$0x3FC9]  }
0x91: {  	s19 =	sld [smem:$0x3FC8]  }
0x92: {  	s4 =	sld [smem:$0x3FC7]  }
0x93: {  	s5 =	sld [smem:$0x3FD0];
	(tm) =	ssettm $0x1  }
0x94: {  	s6 =	sld [smem:$0x3FFB];
	_ =	sdelay $0x3  }
0x95: {  	_ =	strace s6  }
0x96: {  	s6 =	sld [smem:$0x3FFC];
	_ =	sdelay $0x3  }
0x97: {  	_ =	strace s6  }
0x98: {  	s6 =	sld [smem:$0x3FFD];
	_ =	sdelay $0x3  }
0x99: {  	_ =	strace s6  }
0x9a: {  	_ =	strace $0x8FFFFFFF  }
0x9b: {  	s20 =	sld [smem:$0x3FDB];
	_ =	sdelay $0x1  }
0x9c: {  	s7 =	simm.s32 $_scs_section_size  }
0x9d: {  	s8 =	simm.s32 $_size__tile_overlayer_lowered;
	s9 =	simm.s32 $_tile_overlayer_lowered  }
0x9e: {  	s23 =	simm.s32 $0x1BFF;
	s22 =	sshll.u32 s9, $0x1;
	s6 =	sadd.s32 s7, s20  }
0x9f: {  	s10 =	simm.s32 $0x0;
	s21 =	sshll.u32 s8, $0x1;
	s8 =	sadd.s32 s22, s6  }
0xa0: {  	[timem:s10], [sflag:s23] =	dma.local [hbm:s8], s21  }
0xa1: {  	_ =	swait.ge [sflag:s23], s21  }
0xa2: {  	s7 =	ssub.s32 $0x0, s21;
	[sflag:s23] =	ssyncset.done $0x0  }
0xa3: {  	[sflag:s23] =	ssyncadd.s32 s7;
	_ =	sdelay $0x1  }
0xa4: {  	s24 =	simm.s32 $0x1B8B  }
0xa5: {  	_ =	swait.ge [sflag:s24], $0x1  }
0xa6: {  	[sflag:s24] =	ssyncset.done $0x0  }
0xa7: {  	s25 =	simm.s32 $0x1B8E;
	[sflag:s24] =	ssyncadd.s32 $0xFFFFFFFF  }
0xa8: {  	s26 =	simm.s32 $execute0_lowered;
	[smem:$0x3FD2] =	sst s25  }
0xa9: {  	s7 =	sshll.u32 s26, $0x1;
	_ =	strace $0x80000046;
	[dreg:$0x1] =	wrdreg $0xFFFFFFFF  }
0xaa: {  	s28 =	simm.s32 $_size_execute0_lowered;
	s6 =	sadd.s32 s6, s7;
	[dreg:$0x0] =	wrdreg $0x0  }
0xab: {  	s7 =	sshll.u32 s28, $0x1;
	[dreg:$0x2] =	wrdreg s6  }
0xac: {  	[dreg:$0x3] =	wrdreg s7  }
0xad: {  	[dreg:$0x4] =	wrdreg $0xC0  }
0xae: {  	_ =	task [dreg:s10], $0x5FFFF  }
0xaf: {  	[dreg:$0x1] =	wrdreg $0xFFFFFFFF  }
0xb0: {  	[dreg:$0x0] =	wrdreg $0x60  }
0xb1: {  	[dreg:$0x2] =	wrdreg s4  }
0xb2: {  	[dreg:$0x3] =	wrdreg s2  }
0xb3: {  	[dreg:$0x4] =	wrdreg s19  }
0xb4: {  	[dreg:$0x5] =	wrdreg s5  }
0xb5: {  	[dreg:$0x6] =	wrdreg $0x9  }
0xb6: {  	_ =	task.clear_ibuf [dreg:s10], $0x7FFFF;
	_ =	strace $0x90000046  }
0xb7: {  	s29 =	simm.s32 $0x9;
	_ =	strace $0x80000048  }
0xb8: {  	_ =	swait.ge [sflag:s29], $0x1  }
0xb9: {  	[sflag:s29] =	ssyncadd.s32 $0xFFFFFFFF  }
0xba: {  	_ =	strace $0x90000048  }
0xbb: {  	_ =	sfence  }
0xbc: {  	s30 =	sld [smem:$0x0];
	_ =	sdelay $0x2  }
0xbd: {  	s31 =	sshll.u32 s1, $0xD;
	s1 =	sshrl.u32 s1, $0x2  }
0xbe: {  	s3 =	sand.u32 $0x4000, s31;
	s1 =	sadd.s32 s1, s30  }
0xbf: {  	s0 =	sor.u32 s3, s0;
	s1 =	sshll.u32 s1, $0x11  }
0xc0: {  	s0 =	sor.u32 s1, s0  }
0xc1: {  	s0 =	sadd.s32 $0x8F2B, s0  }
0xc2: {  	[sflag:s0] =	ssyncadd.remote.s32 $0x1  }
0xc3: {  	_ =	sfence.sel $0xFFFF  }
0xc4: {  	[dreg:$0x0] =	wrdreg $0xFFFFFFFF;
	(pc) =	sbr.abs _section_cstart, $3  }
0xc5: {  	[dreg:$0x1] =	wrdreg $0xFFFFFFFF  }
0xc6: {  	_ =	task.clear_ibuf [dreg:s10], $0x2FFFF;
	_ =	strace $0x9FFFFFFF  }
0xc7: {  	(tm) =	ssettm $0x7FFFFFFF  }
tec
execute0_lowered:
.L_overlay_start_1:
0x0: {  	(tag) =	ssettag $0x1  }
0x1: {  	s0 =	rddreg [dreg:$0x0]  }
0x2: {  	s1 =	rddreg [dreg:$0x1]  }
0x3: {  	s2 =	rddreg [dreg:$0x2]  }
0x4: {  	s3 =	srdreg.scid;
	s4 =	rddreg [dreg:$0x3]  }
0x5: {  	s15 =	stileid.u32;
	s19 =	simm.s32 $0x8200;
	s29 =	simm.s32 $0xCA00  }
0x6: {  	s30 =	simm.s32 $0xD200;
	s31 =	simm.s32 $0xDA00;
	s17 =	simm.s32 $0xF200  }
0x7: {  	s16 =	simm.s32 $0x4;
	s18 =	simm.s32 $0x2;
	s20 =	simm.s32 $0x5  }
0x8: {  	s21 =	simm.s32 $0x3;
	s22 =	simm.s32 $0x6;
	s5 =	sand.u32 $0x1, s3  }
0x9: {  	s6 =	sshll.u32 s15, $0x9;
	s3 =	simm.s32 $0x0;
	s9 =	sadd.s32 $0x400, s0  }
0xa: {  	s10 =	sadd.s32 $0x500, s0;
	s11 =	sadd.s32 $0x600, s0;
	s12 =	sadd.s32 $0x700, s0  }
0xb: {  	s25 =	sshll.u32 s15, $0x12;
	s7 =	sshll.u32 s5, $0x8;
	s8 =	ssub.s32 $0x2, s5  }
0xc: {  	[smem:$0x7FF] =	sst s3;
	s5 =	sshll.u32 s5, $0x11;
	s13 =	sor.u32 s7, s6  }
0xd: {  	s23 =	sshrl.u32 s8, $0x1;
	_ =	strace $0x80000047;
	s6 =	sadd.s32 $0x100, s0  }
0xe: {  	s7 =	sshrl.u32 s13, $0x3;
	s14 =	ssub.s32 s8, s23;
	s8 =	sadd.s32 $0x300, s0  }
0xf: {  	s26 =	sshll.u32 s13, $0x9;
	s13 =	simm.s32 $0x1;
	s1 =	sadd.s32 s1, s7  }
.Ltmp0:
0x10: {  	s24 =	sadd.s32 s2, s7;
	s7 =	sadd.s32 $0x200, s0;
	(pc) =	sbr.rel .LBB2_1-.Ltmp0, $4  }
0x11: {  	s28 =	smax.u32 s14, $0x1;
	s14 =	sadd.s32 s26, s4;
	[dreg:$0x5] =	wrdreg s1  }
0x12: {  	v0 =	vlaneseq.u32;
	s2 =	simm.s32 $0xEA00;
	[dreg:$0x6] =	wrdreg s24;
	s1 =	sadd.s32 s25, s4  }
0x13: {  	v1 =	vshrl.u32 v0, $0x3;
	[dreg:$0x7] =	wrdreg s28;
	s4 =	simm.s32 $0xFA00;
	s24 =	simm.s32 $0x0  }
0x14: {  	vm0 =	vmmov $0xffff;
	v0 =	vand.u32 $0x7, v0;
	v1 =	vmul.u32 $0x8, v1;
	s15 =	sadd.s32 s5, s1;
	s1 =	simm.s32 $0xE200;
	s5 =	simm.s32 $0x10200  }
.LBB2_4:
0x15: {  	s24 =	rddreg [dreg:$0x8]  }
0x16: {  	s23 =	rddreg [dreg:$0x7];
	s24 =	sadd.s32 $0x1, s24  }
0x17: {  	p0 =	sne.s32 s24, s23  }
.Ltmp1:
0x18: {  	_ = 	snop;
	(pc) =	sbr.rel @!p0 .LBB2_5-.Ltmp1, $1  }
0x19: {  	_ =	sdelay $0x3  }
.LBB2_1:
0x1a: {  	[dreg:$0x8] =	wrdreg s24  }
0x1b: {  	s23 =	rddreg [dreg:$0x5];
	s26 =	simm.s32 $0x7  }
0x1c: {  	[tilespmem:s3], [sflag:$0x7] =	stream.linear.gather [hbm4b:s23+s3], $0x100, $0x38;
	[tilespmem:$0x18200] =	vst v63  }
0x1d: {  	_ =	swait.ge [sflag:s26], $0x100  }
0x1e: {  	[sflag:s26] =	ssyncset.done $0x0  }
0x1f: {  	s25 =	simm.s32 $0x100;
	s28 =	rddreg [dreg:$0x6];
	[sflag:s26] =	ssyncadd.s32 $0xFFFFFF00  }
0x20: {  	[tilespmem:s25], [sflag:$0x7] =	stream.linear.gather [hbm4b:s28+s3], $0x100, $0x38;
	[tilespmem:$0x18200] =	vst v63  }
0x21: {  	_ =	swait.ge [sflag:s26], $0x100  }
0x22: {  	[sflag:s26] =	ssyncset.done $0x0  }
0x23: {  	[sflag:s26] =	ssyncadd.s32 $0xFFFFFF00  }
0x24: {  	v2 =	vld.msk [tilespmem:$0x0], $0xff;
	_ =	sdelay $0x4  }
0x25: {  	v3 =	vshll.u32 v2, $0x4  }
0x26: {  	v2 =	vand.u32 $0x7, v2;
	v3 =	vand.u32 $0xFFFFFF80, v3  }
0x27: {  	v2 =	vor.u32 v2, v3  }
0x28: {  	v2 =	vperm.xlane v2, v0;
	_ =	sdelay $0x1  }
0x29: {  	v2 =	vadd.s32 v1, v2;
	_ =	sdelay $0x3  }
0x2a: {  	s25 =	simm.s32 $0x200  }
0x2b: {  	[tilespmem:s25], [sflag:$0x1] =	stream.indirect_vreg.gather [hbm4b:s0+s3], $0x80, v2, vm0, $0xb8;
	[tilespmem:$0x18200] =	vst v63  }
0x2c: {  	s26 =	simm.s32 $0xA00  }
0x2d: {  	[tilespmem:s26], [sflag:$0x1] =	stream.indirect_vreg.gather [hbm4b:s6+s3], $0x80, v2, vm0, $0xb8;
	[tilespmem:$0x18200] =	vst v63  }
0x2e: {  	s28 =	simm.s32 $0x1200  }
0x2f: {  	[tilespmem:s28], [sflag:$0x1] =	stream.indirect_vreg.gather [hbm4b:s7+s3], $0x80, v2, vm0, $0xb8;
	[tilespmem:$0x18200] =	vst v63  }
0x30: {  	s24 =	simm.s32 $0x1A00  }
0x31: {  	[tilespmem:s24], [sflag:$0x1] =	stream.indirect_vreg.gather [hbm4b:s8+s3], $0x80, v2, vm0, $0xb8;
	[tilespmem:$0x18200] =	vst v63  }
0x32: {  	s25 =	simm.s32 $0x2200  }
0x33: {  	[tilespmem:s25], [sflag:$0x1] =	stream.indirect_vreg.gather [hbm4b:s9+s3], $0x80, v2, vm0, $0xb8;
	[tilespmem:$0x18200] =	vst v63  }
0x34: {  	s26 =	simm.s32 $0x2A00  }
0x35: {  	[tilespmem:s26], [sflag:$0x1] =	stream.indirect_vreg.gather [hbm4b:s10+s3], $0x80, v2, vm0, $0xb8;
	[tilespmem:$0x18200] =	vst v63  }
0x36: {  	s28 =	simm.s32 $0x3200  }
0x37: {  	[tilespmem:s28], [sflag:$0x1] =	stream.indirect_vreg.gather [hbm4b:s11+s3], $0x80, v2, vm0, $0xb8;
	[tilespmem:$0x18200] =	vst v63  }
0x38: {  	s24 =	simm.s32 $0x3A00  }
0x39: {  	[tilespmem:s24], [sflag:$0x1] =	stream.indirect_vreg.gather [hbm4b:s12+s3], $0x80, v2, vm0, $0xb8;
	[tilespmem:$0x18200] =	vst v63  }
0x3a: {  	v2 =	vld.msk [tilespmem:$0x100], $0xff;
	_ =	sdelay $0x4  }
0x3b: {  	v3 =	vshll.u32 v2, $0x4  }
0x3c: {  	v2 =	vand.u32 $0x7, v2;
	v3 =	vand.u32 $0xFFFFFF80, v3  }
0x3d: {  	v2 =	vor.u32 v2, v3  }
0x3e: {  	v2 =	vperm.xlane v2, v0;
	_ =	sdelay $0x1  }
0x3f: {  	v2 =	vadd.s32 v1, v2;
	_ =	sdelay $0x3  }
0x40: {  	s25 =	simm.s32 $0x4200  }
0x41: {  	[tilespmem:s25], [sflag:$0x1] =	stream.indirect_vreg.gather [hbm4b:s0+s3], $0x80, v2, vm0, $0xb8;
	[tilespmem:$0x18200] =	vst v63  }
0x42: {  	s26 =	simm.s32 $0x4A00  }
0x43: {  	[tilespmem:s26], [sflag:$0x1] =	stream.indirect_vreg.gather [hbm4b:s6+s3], $0x80, v2, vm0, $0xb8;
	[tilespmem:$0x18200] =	vst v63  }
0x44: {  	s28 =	simm.s32 $0x5200  }
0x45: {  	[tilespmem:s28], [sflag:$0x1] =	stream.indirect_vreg.gather [hbm4b:s7+s3], $0x80, v2, vm0, $0xb8;
	[tilespmem:$0x18200] =	vst v63  }
0x46: {  	s24 =	simm.s32 $0x5A00  }
0x47: {  	[tilespmem:s24], [sflag:$0x1] =	stream.indirect_vreg.gather [hbm4b:s8+s3], $0x80, v2, vm0, $0xb8;
	[tilespmem:$0x18200] =	vst v63  }
0x48: {  	s25 =	simm.s32 $0x6200  }
0x49: {  	[tilespmem:s25], [sflag:$0x1] =	stream.indirect_vreg.gather [hbm4b:s9+s3], $0x80, v2, vm0, $0xb8;
	[tilespmem:$0x18200] =	vst v63  }
0x4a: {  	s26 =	simm.s32 $0x6A00  }
0x4b: {  	[tilespmem:s26], [sflag:$0x1] =	stream.indirect_vreg.gather [hbm4b:s10+s3], $0x80, v2, vm0, $0xb8;
	[tilespmem:$0x18200] =	vst v63  }
0x4c: {  	s28 =	simm.s32 $0x7200  }
0x4d: {  	[tilespmem:s28], [sflag:$0x1] =	stream.indirect_vreg.gather [hbm4b:s11+s3], $0x80, v2, vm0, $0xb8;
	[tilespmem:$0x18200] =	vst v63  }
0x4e: {  	s24 =	simm.s32 $0x7A00  }
0x4f: {  	[tilespmem:s24], [sflag:$0x1] =	stream.indirect_vreg.gather [hbm4b:s12+s3], $0x80, v2, vm0, $0xb8;
	[tilespmem:$0x18200] =	vst v63  }
0x50: {  	v2 =	vld.msk [tilespmem:$0x8], $0xff;
	_ =	sdelay $0x4  }
0x51: {  	v3 =	vshll.u32 v2, $0x4  }
0x52: {  	v2 =	vand.u32 $0x7, v2;
	v3 =	vand.u32 $0xFFFFFF80, v3  }
0x53: {  	v2 =	vor.u32 v2, v3  }
0x54: {  	v2 =	vperm.xlane v2, v0;
	_ =	sdelay $0x1  }
0x55: {  	v2 =	vadd.s32 v1, v2;
	_ =	sdelay $0x4  }
0x56: {  	[tilespmem:s19], [sflag:$0x2] =	stream.indirect_vreg.gather [hbm4b:s0+s3], $0x80, v2, vm0, $0xb8;
	[tilespmem:$0x18200] =	vst v63  }
0x57: {  	s25 =	simm.s32 $0x8A00  }
0x58: {  	[tilespmem:s25], [sflag:$0x2] =	stream.indirect_vreg.gather [hbm4b:s6+s3], $0x80, v2, vm0, $0xb8;
	[tilespmem:$0x18200] =	vst v63  }
0x59: {  	s26 =	simm.s32 $0x9200  }
0x5a: {  	[tilespmem:s26], [sflag:$0x2] =	stream.indirect_vreg.gather [hbm4b:s7+s3], $0x80, v2, vm0, $0xb8;
	[tilespmem:$0x18200] =	vst v63  }
0x5b: {  	s28 =	simm.s32 $0x9A00  }
0x5c: {  	[tilespmem:s28], [sflag:$0x2] =	stream.indirect_vreg.gather [hbm4b:s8+s3], $0x80, v2, vm0, $0xb8;
	[tilespmem:$0x18200] =	vst v63  }
0x5d: {  	s24 =	simm.s32 $0xA200  }
0x5e: {  	[tilespmem:s24], [sflag:$0x2] =	stream.indirect_vreg.gather [hbm4b:s9+s3], $0x80, v2, vm0, $0xb8;
	[tilespmem:$0x18200] =	vst v63  }
0x5f: {  	s25 =	simm.s32 $0xAA00  }
0x60: {  	[tilespmem:s25], [sflag:$0x2] =	stream.indirect_vreg.gather [hbm4b:s10+s3], $0x80, v2, vm0, $0xb8;
	[tilespmem:$0x18200] =	vst v63  }
0x61: {  	s26 =	simm.s32 $0xB200  }
0x62: {  	[tilespmem:s26], [sflag:$0x2] =	stream.indirect_vreg.gather [hbm4b:s11+s3], $0x80, v2, vm0, $0xb8;
	[tilespmem:$0x18200] =	vst v63  }
0x63: {  	s28 =	simm.s32 $0xBA00  }
0x64: {  	[tilespmem:s28], [sflag:$0x2] =	stream.indirect_vreg.gather [hbm4b:s12+s3], $0x80, v2, vm0, $0xb8;
	[tilespmem:$0x18200] =	vst v63  }
0x65: {  	v2 =	vld.msk [tilespmem:$0x108], $0xff;
	_ =	sdelay $0x4  }
0x66: {  	v3 =	vshll.u32 v2, $0x4  }
0x67: {  	v2 =	vand.u32 $0x7, v2;
	v3 =	vand.u32 $0xFFFFFF80, v3  }
0x68: {  	v2 =	vor.u32 v2, v3  }
0x69: {  	v2 =	vperm.xlane v2, v0;
	_ =	sdelay $0x1  }
0x6a: {  	v2 =	vadd.s32 v1, v2;
	_ =	sdelay $0x3  }
0x6b: {  	s24 =	simm.s32 $0xC200  }
0x6c: {  	[tilespmem:s24], [sflag:$0x2] =	stream.indirect_vreg.gather [hbm4b:s0+s3], $0x80, v2, vm0, $0xb8;
	[tilespmem:$0x18200] =	vst v63  }
0x6d: {  	_ = 	snop  }
0x6e: {  	[tilespmem:s29], [sflag:$0x2] =	stream.indirect_vreg.gather [hbm4b:s6+s3], $0x80, v2, vm0, $0xb8;
	[tilespmem:$0x18200] =	vst v63  }
0x6f: {  	_ = 	snop  }
0x70: {  	[tilespmem:s30], [sflag:$0x2] =	stream.indirect_vreg.gather [hbm4b:s7+s3], $0x80, v2, vm0, $0xb8;
	[tilespmem:$0x18200] =	vst v63  }
0x71: {  	_ = 	snop  }
0x72: {  	[tilespmem:s31], [sflag:$0x2] =	stream.indirect_vreg.gather [hbm4b:s8+s3], $0x80, v2, vm0, $0xb8;
	[tilespmem:$0x18200] =	vst v63  }
0x73: {  	_ = 	snop  }
0x74: {  	[tilespmem:s1], [sflag:$0x2] =	stream.indirect_vreg.gather [hbm4b:s9+s3], $0x80, v2, vm0, $0xb8;
	[tilespmem:$0x18200] =	vst v63  }
0x75: {  	_ = 	snop  }
0x76: {  	[tilespmem:s2], [sflag:$0x2] =	stream.indirect_vreg.gather [hbm4b:s10+s3], $0x80, v2, vm0, $0xb8;
	[tilespmem:$0x18200] =	vst v63  }
0x77: {  	_ = 	snop  }
0x78: {  	[tilespmem:s17], [sflag:$0x2] =	stream.indirect_vreg.gather [hbm4b:s11+s3], $0x80, v2, vm0, $0xb8;
	[tilespmem:$0x18200] =	vst v63  }
0x79: {  	_ = 	snop  }
0x7a: {  	[tilespmem:s4], [sflag:$0x2] =	stream.indirect_vreg.gather [hbm4b:s12+s3], $0x80, v2, vm0, $0xb8;
	[tilespmem:$0x18200] =	vst v63  }
0x7b: {  	v2 =	vld.msk [tilespmem:$0x10], $0xff;
	_ =	sdelay $0x4  }
0x7c: {  	v3 =	vshll.u32 v2, $0x4  }
0x7d: {  	v2 =	vand.u32 $0x7, v2;
	v3 =	vand.u32 $0xFFFFFF80, v3  }
0x7e: {  	v2 =	vor.u32 v2, v3  }
0x7f: {  	v2 =	vperm.xlane v2, v0;
	_ =	sdelay $0x1  }
0x80: {  	v2 =	vadd.s32 v1, v2;
	_ =	sdelay $0x4  }
0x81: {  	[tilespmem:s5], [sflag:$0x3] =	stream.indirect_vreg.gather [hbm4b:s0+s3], $0x80, v2, vm0, $0xb8;
	[tilespmem:$0x18200] =	vst v63  }
0x82: {  	s25 =	simm.s32 $0x10A00  }
0x83: {  	[tilespmem:s25], [sflag:$0x3] =	stream.indirect_vreg.gather [hbm4b:s6+s3], $0x80, v2, vm0, $0xb8;
	[tilespmem:$0x18200] =	vst v63  }
0x84: {  	s26 =	simm.s32 $0x11200  }
0x85: {  	[tilespmem:s26], [sflag:$0x3] =	stream.indirect_vreg.gather [hbm4b:s7+s3], $0x80, v2, vm0, $0xb8;
	[tilespmem:$0x18200] =	vst v63  }
0x86: {  	s28 =	simm.s32 $0x11A00  }
0x87: {  	[tilespmem:s28], [sflag:$0x3] =	stream.indirect_vreg.gather [hbm4b:s8+s3], $0x80, v2, vm0, $0xb8;
	[tilespmem:$0x18200] =	vst v63  }
0x88: {  	s24 =	simm.s32 $0x12200  }
0x89: {  	[tilespmem:s24], [sflag:$0x3] =	stream.indirect_vreg.gather [hbm4b:s9+s3], $0x80, v2, vm0, $0xb8;
	[tilespmem:$0x18200] =	vst v63  }
0x8a: {  	s25 =	simm.s32 $0x12A00  }
0x8b: {  	[tilespmem:s25], [sflag:$0x3] =	stream.indirect_vreg.gather [hbm4b:s10+s3], $0x80, v2, vm0, $0xb8;
	[tilespmem:$0x18200] =	vst v63  }
0x8c: {  	s26 =	simm.s32 $0x13200  }
0x8d: {  	[tilespmem:s26], [sflag:$0x3] =	stream.indirect_vreg.gather [hbm4b:s11+s3], $0x80, v2, vm0, $0xb8;
	[tilespmem:$0x18200] =	vst v63  }
0x8e: {  	s28 =	simm.s32 $0x13A00  }
0x8f: {  	[tilespmem:s28], [sflag:$0x3] =	stream.indirect_vreg.gather [hbm4b:s12+s3], $0x80, v2, vm0, $0xb8;
	[tilespmem:$0x18200] =	vst v63  }
0x90: {  	v2 =	vld.msk [tilespmem:$0x110], $0xff;
	_ =	sdelay $0x4  }
0x91: {  	v3 =	vshll.u32 v2, $0x4  }
0x92: {  	v2 =	vand.u32 $0x7, v2;
	v3 =	vand.u32 $0xFFFFFF80, v3  }
0x93: {  	v2 =	vor.u32 v2, v3  }
0x94: {  	v2 =	vperm.xlane v2, v0;
	_ =	sdelay $0x1  }
0x95: {  	v2 =	vadd.s32 v1, v2;
	_ =	sdelay $0x3  }
0x96: {  	s24 =	simm.s32 $0x14200  }
0x97: {  	[tilespmem:s24], [sflag:$0x3] =	stream.indirect_vreg.gather [hbm4b:s0+s3], $0x80, v2, vm0, $0xb8;
	[tilespmem:$0x18200] =	vst v63  }
0x98: {  	s25 =	simm.s32 $0x14A00  }
0x99: {  	[tilespmem:s25], [sflag:$0x3] =	stream.indirect_vreg.gather [hbm4b:s6+s3], $0x80, v2, vm0, $0xb8;
	[tilespmem:$0x18200] =	vst v63  }
0x9a: {  	s26 =	simm.s32 $0x15200  }
0x9b: {  	[tilespmem:s26], [sflag:$0x3] =	stream.indirect_vreg.gather [hbm4b:s7+s3], $0x80, v2, vm0, $0xb8;
	[tilespmem:$0x18200] =	vst v63  }
0x9c: {  	s28 =	simm.s32 $0x15A00  }
0x9d: {  	[tilespmem:s28], [sflag:$0x3] =	stream.indirect_vreg.gather [hbm4b:s8+s3], $0x80, v2, vm0, $0xb8;
	[tilespmem:$0x18200] =	vst v63  }
0x9e: {  	s24 =	simm.s32 $0x16200  }
0x9f: {  	[tilespmem:s24], [sflag:$0x3] =	stream.indirect_vreg.gather [hbm4b:s9+s3], $0x80, v2, vm0, $0xb8;
	[tilespmem:$0x18200] =	vst v63  }
0xa0: {  	s25 =	simm.s32 $0x16A00  }
0xa1: {  	[tilespmem:s25], [sflag:$0x3] =	stream.indirect_vreg.gather [hbm4b:s10+s3], $0x80, v2, vm0, $0xb8;
	[tilespmem:$0x18200] =	vst v63  }
0xa2: {  	s23 =	simm.s32 $0x118;
	s26 =	simm.s32 $0x17200  }
0xa3: {  	[tilespmem:s26], [sflag:$0x3] =	stream.indirect_vreg.gather [hbm4b:s11+s3], $0x80, v2, vm0, $0xb8;
	[tilespmem:$0x18200] =	vst v63  }
0xa4: {  	s28 =	simm.s32 $0x17A00;
	s24 =	simm.s32 $0x0;
	s25 =	simm.s32 $0x0  }
0xa5: {  	[tilespmem:s28], [sflag:$0x3] =	stream.indirect_vreg.gather [hbm4b:s12+s3], $0x80, v2, vm0, $0xb8;
	[tilespmem:$0x18200] =	vst v63  }
.LBB2_2:
0xa6: {  	_ =	swait.ge [sflag:s13], $0x8000  }
0xa7: {  	[sflag:s13] =	ssyncset.done $0x0  }
0xa8: {  	s26 =	sadd.s32 s24, s15;
	s28 =	simm.s32 $0x200;
	[sflag:s13] =	ssyncadd.s32 $0xFFFF8000  }
0xa9: {  	[hbm4b:s26+s3] =	stream.linear.scatter [tilespmem:s28], [sflag:$0x4], $0x8000, $0x38;
	[tilespmem:$0x18200] =	vst v63  }
0xaa: {  	_ =	swait.ge [sflag:s16], $0x8000  }
0xab: {  	[sflag:s16] =	ssyncset.done $0x0  }
0xac: {  	p0 =	seq.s32 s24, $0x1E000;
	[sflag:s16] =	ssyncadd.s32 $0xFFFF8000  }
0xad: {  	v2 =	vld.msk @!p0 [tilespmem:s23+$0xFFFFFF00], $0xff;
	_ =	sdelay $0x4  }
0xae: {  	v3 =	vshll.u32 @!p0 v2, $0x4  }
0xaf: {  	v4 =	vlaneseq.u32 @!p0;
	v2 =	vand.u32 @!p0 $0x7, v2;
	v3 =	vand.u32 @!p0 $0xFFFFFF80, v3  }
0xb0: {  	v2 =	vor.u32 @!p0 v2, v3;
	v3 =	vand.u32 @!p0 $0x7, v4;
	v4 =	vshrl.u32 @!p0 v4, $0x3  }
0xb1: {  	v2 =	vperm.xlane @!p0 v2, v3;
	v4 =	vmul.u32 @!p0 $0x8, v4;
	_ =	sdelay $0x1  }
0xb2: {  	v2 =	vadd.s32 @!p0 v4, v2;
	_ =	sdelay $0x3  }
0xb3: {  	vm1 =	vmmov @!p0 $0xffff;
	s26 =	simm.s32 @!p0 $0x0;
	s28 =	simm.s32 @!p0 $0x200  }
0xb4: {  	[tilespmem:s28], [sflag:$0x1] =	stream.indirect_vreg.gather @!p0 [hbm4b:s0+s26], $0x80, v2, vm1, $0xb8;
	[tilespmem:$0x18200] =	vst v63  }
0xb5: {  	s28 =	simm.s32 @!p0 $0xA00  }
0xb6: {  	[tilespmem:s28], [sflag:$0x1] =	stream.indirect_vreg.gather @!p0 [hbm4b:s6+s26], $0x80, v2, vm1, $0xb8;
	[tilespmem:$0x18200] =	vst v63  }
0xb7: {  	s28 =	simm.s32 @!p0 $0x1200  }
0xb8: {  	[tilespmem:s28], [sflag:$0x1] =	stream.indirect_vreg.gather @!p0 [hbm4b:s7+s26], $0x80, v2, vm1, $0xb8;
	[tilespmem:$0x18200] =	vst v63  }
0xb9: {  	s28 =	simm.s32 @!p0 $0x1A00  }
0xba: {  	[tilespmem:s28], [sflag:$0x1] =	stream.indirect_vreg.gather @!p0 [hbm4b:s8+s26], $0x80, v2, vm1, $0xb8;
	[tilespmem:$0x18200] =	vst v63  }
0xbb: {  	s28 =	simm.s32 @!p0 $0x2200  }
0xbc: {  	[tilespmem:s28], [sflag:$0x1] =	stream.indirect_vreg.gather @!p0 [hbm4b:s9+s26], $0x80, v2, vm1, $0xb8;
	[tilespmem:$0x18200] =	vst v63  }
0xbd: {  	s28 =	simm.s32 @!p0 $0x2A00  }
0xbe: {  	[tilespmem:s28], [sflag:$0x1] =	stream.indirect_vreg.gather @!p0 [hbm4b:s10+s26], $0x80, v2, vm1, $0xb8;
	[tilespmem:$0x18200] =	vst v63  }
0xbf: {  	s28 =	simm.s32 @!p0 $0x3200  }
0xc0: {  	[tilespmem:s28], [sflag:$0x1] =	stream.indirect_vreg.gather @!p0 [hbm4b:s11+s26], $0x80, v2, vm1, $0xb8;
	[tilespmem:$0x18200] =	vst v63  }
0xc1: {  	s28 =	simm.s32 @!p0 $0x3A00  }
0xc2: {  	[tilespmem:s28], [sflag:$0x1] =	stream.indirect_vreg.gather @!p0 [hbm4b:s12+s26], $0x80, v2, vm1, $0xb8;
	[tilespmem:$0x18200] =	vst v63  }
0xc3: {  	v2 =	vld.msk @!p0 [tilespmem:s23+$0x0], $0xff;
	_ =	sdelay $0x4  }
0xc4: {  	v5 =	vshll.u32 @!p0 v2, $0x4  }
0xc5: {  	v2 =	vand.u32 @!p0 $0x7, v2;
	v5 =	vand.u32 @!p0 $0xFFFFFF80, v5  }
0xc6: {  	v2 =	vor.u32 @!p0 v2, v5  }
0xc7: {  	v2 =	vperm.xlane @!p0 v2, v3;
	_ =	sdelay $0x1  }
0xc8: {  	v2 =	vadd.s32 @!p0 v4, v2;
	_ =	sdelay $0x3  }
0xc9: {  	s28 =	simm.s32 @!p0 $0x4200  }
0xca: {  	[tilespmem:s28], [sflag:$0x1] =	stream.indirect_vreg.gather @!p0 [hbm4b:s0+s26], $0x80, v2, vm1, $0xb8;
	[tilespmem:$0x18200] =	vst v63  }
0xcb: {  	s28 =	simm.s32 @!p0 $0x4A00  }
0xcc: {  	[tilespmem:s28], [sflag:$0x1] =	stream.indirect_vreg.gather @!p0 [hbm4b:s6+s26], $0x80, v2, vm1, $0xb8;
	[tilespmem:$0x18200] =	vst v63  }
0xcd: {  	s28 =	simm.s32 @!p0 $0x5200  }
0xce: {  	[tilespmem:s28], [sflag:$0x1] =	stream.indirect_vreg.gather @!p0 [hbm4b:s7+s26], $0x80, v2, vm1, $0xb8;
	[tilespmem:$0x18200] =	vst v63  }
0xcf: {  	s28 =	simm.s32 @!p0 $0x5A00  }
0xd0: {  	[tilespmem:s28], [sflag:$0x1] =	stream.indirect_vreg.gather @!p0 [hbm4b:s8+s26], $0x80, v2, vm1, $0xb8;
	[tilespmem:$0x18200] =	vst v63  }
0xd1: {  	s28 =	simm.s32 @!p0 $0x6200  }
0xd2: {  	[tilespmem:s28], [sflag:$0x1] =	stream.indirect_vreg.gather @!p0 [hbm4b:s9+s26], $0x80, v2, vm1, $0xb8;
	[tilespmem:$0x18200] =	vst v63  }
0xd3: {  	s28 =	simm.s32 @!p0 $0x6A00  }
0xd4: {  	[tilespmem:s28], [sflag:$0x1] =	stream.indirect_vreg.gather @!p0 [hbm4b:s10+s26], $0x80, v2, vm1, $0xb8;
	[tilespmem:$0x18200] =	vst v63  }
0xd5: {  	s28 =	simm.s32 @!p0 $0x7200  }
0xd6: {  	[tilespmem:s28], [sflag:$0x1] =	stream.indirect_vreg.gather @!p0 [hbm4b:s11+s26], $0x80, v2, vm1, $0xb8;
	[tilespmem:$0x18200] =	vst v63  }
0xd7: {  	s28 =	simm.s32 @!p0 $0x7A00  }
0xd8: {  	[tilespmem:s28], [sflag:$0x1] =	stream.indirect_vreg.gather @!p0 [hbm4b:s12+s26], $0x80, v2, vm1, $0xb8;
	[tilespmem:$0x18200] =	vst v63  }
0xd9: {  	_ =	swait.ge [sflag:s18], $0x8000  }
0xda: {  	s26 =	sadd.s32 s24, s14;
	[sflag:s18] =	ssyncset.done $0x0  }
.Ltmp2:
0xdb: {  	s28 =	sadd.s32 $0x1000, s26;
	[sflag:s18] =	ssyncadd.s32 $0xFFFF8000;
	(pc) =	sbr.rel @p0 .LBB2_4-.Ltmp2, $4  }
0xdc: {  	[hbm4b:s28+s3] =	stream.linear.scatter [tilespmem:s19], [sflag:$0x5], $0x8000, $0x38;
	[tilespmem:$0x18200] =	vst v63  }
0xdd: {  	_ =	swait.ge [sflag:s20], $0x8000  }
0xde: {  	[sflag:s20] =	ssyncset.done $0x0  }
0xdf: {  	[sflag:s20] =	ssyncadd.s32 $0xFFFF8000  }
0xe0: {  	v2 =	vld.msk [tilespmem:s23+$0xFFFFFF08], $0xff;
	_ =	sdelay $0x4  }
0xe1: {  	v3 =	vshll.u32 v2, $0x4  }
0xe2: {  	v2 =	vand.u32 $0x7, v2;
	v3 =	vand.u32 $0xFFFFFF80, v3  }
0xe3: {  	v2 =	vor.u32 v2, v3  }
0xe4: {  	v2 =	vperm.xlane v2, v0;
	_ =	sdelay $0x1  }
0xe5: {  	v2 =	vadd.s32 v1, v2;
	_ =	sdelay $0x4  }
0xe6: {  	[tilespmem:s19], [sflag:$0x2] =	stream.indirect_vreg.gather [hbm4b:s0+s3], $0x80, v2, vm0, $0xb8;
	[tilespmem:$0x18200] =	vst v63  }
0xe7: {  	s28 =	simm.s32 $0x8A00  }
0xe8: {  	[tilespmem:s28], [sflag:$0x2] =	stream.indirect_vreg.gather [hbm4b:s6+s3], $0x80, v2, vm0, $0xb8;
	[tilespmem:$0x18200] =	vst v63  }
0xe9: {  	s28 =	simm.s32 $0x9200  }
0xea: {  	[tilespmem:s28], [sflag:$0x2] =	stream.indirect_vreg.gather [hbm4b:s7+s3], $0x80, v2, vm0, $0xb8;
	[tilespmem:$0x18200] =	vst v63  }
0xeb: {  	s28 =	simm.s32 $0x9A00  }
0xec: {  	[tilespmem:s28], [sflag:$0x2] =	stream.indirect_vreg.gather [hbm4b:s8+s3], $0x80, v2, vm0, $0xb8;
	[tilespmem:$0x18200] =	vst v63  }
0xed: {  	s28 =	simm.s32 $0xA200  }
0xee: {  	[tilespmem:s28], [sflag:$0x2] =	stream.indirect_vreg.gather [hbm4b:s9+s3], $0x80, v2, vm0, $0xb8;
	[tilespmem:$0x18200] =	vst v63  }
0xef: {  	s28 =	simm.s32 $0xAA00  }
0xf0: {  	[tilespmem:s28], [sflag:$0x2] =	stream.indirect_vreg.gather [hbm4b:s10+s3], $0x80, v2, vm0, $0xb8;
	[tilespmem:$0x18200] =	vst v63  }
0xf1: {  	s28 =	simm.s32 $0xB200  }
0xf2: {  	[tilespmem:s28], [sflag:$0x2] =	stream.indirect_vreg.gather [hbm4b:s11+s3], $0x80, v2, vm0, $0xb8;
	[tilespmem:$0x18200] =	vst v63  }
0xf3: {  	s28 =	simm.s32 $0xBA00  }
0xf4: {  	[tilespmem:s28], [sflag:$0x2] =	stream.indirect_vreg.gather [hbm4b:s12+s3], $0x80, v2, vm0, $0xb8;
	[tilespmem:$0x18200] =	vst v63  }
0xf5: {  	v2 =	vld.msk [tilespmem:s23+$0x8], $0xff;
	_ =	sdelay $0x4  }
0xf6: {  	v3 =	vshll.u32 v2, $0x4  }
0xf7: {  	v2 =	vand.u32 $0x7, v2;
	v3 =	vand.u32 $0xFFFFFF80, v3  }
0xf8: {  	v2 =	vor.u32 v2, v3  }
0xf9: {  	v2 =	vperm.xlane v2, v0;
	_ =	sdelay $0x1  }
0xfa: {  	v2 =	vadd.s32 v1, v2;
	_ =	sdelay $0x3  }
0xfb: {  	s28 =	simm.s32 $0xC200  }
0xfc: {  	[tilespmem:s28], [sflag:$0x2] =	stream.indirect_vreg.gather [hbm4b:s0+s3], $0x80, v2, vm0, $0xb8;
	[tilespmem:$0x18200] =	vst v63  }
0xfd: {  	_ = 	snop  }
0xfe: {  	[tilespmem:s29], [sflag:$0x2] =	stream.indirect_vreg.gather [hbm4b:s6+s3], $0x80, v2, vm0, $0xb8;
	[tilespmem:$0x18200] =	vst v63  }
0xff: {  	_ = 	snop  }
0x100: {  	[tilespmem:s30], [sflag:$0x2] =	stream.indirect_vreg.gather [hbm4b:s7+s3], $0x80, v2, vm0, $0xb8;
	[tilespmem:$0x18200] =	vst v63  }
0x101: {  	_ = 	snop  }
0x102: {  	[tilespmem:s31], [sflag:$0x2] =	stream.indirect_vreg.gather [hbm4b:s8+s3], $0x80, v2, vm0, $0xb8;
	[tilespmem:$0x18200] =	vst v63  }
0x103: {  	_ = 	snop  }
0x104: {  	[tilespmem:s1], [sflag:$0x2] =	stream.indirect_vreg.gather [hbm4b:s9+s3], $0x80, v2, vm0, $0xb8;
	[tilespmem:$0x18200] =	vst v63  }
0x105: {  	_ = 	snop  }
0x106: {  	[tilespmem:s2], [sflag:$0x2] =	stream.indirect_vreg.gather [hbm4b:s10+s3], $0x80, v2, vm0, $0xb8;
	[tilespmem:$0x18200] =	vst v63  }
0x107: {  	_ = 	snop  }
0x108: {  	[tilespmem:s17], [sflag:$0x2] =	stream.indirect_vreg.gather [hbm4b:s11+s3], $0x80, v2, vm0, $0xb8;
	[tilespmem:$0x18200] =	vst v63  }
0x109: {  	_ = 	snop  }
0x10a: {  	[tilespmem:s4], [sflag:$0x2] =	stream.indirect_vreg.gather [hbm4b:s12+s3], $0x80, v2, vm0, $0xb8;
	[tilespmem:$0x18200] =	vst v63  }
0x10b: {  	_ =	swait.ge [sflag:s21], $0x8000  }
0x10c: {  	[sflag:s21] =	ssyncset.done $0x0  }
0x10d: {  	s26 =	sadd.s32 $0x2000, s26;
	[sflag:s21] =	ssyncadd.s32 $0xFFFF8000  }
0x10e: {  	[hbm4b:s26+s3] =	stream.linear.scatter [tilespmem:s5], [sflag:$0x6], $0x8000, $0x38;
	[tilespmem:$0x18200] =	vst v63  }
0x10f: {  	_ =	swait.ge [sflag:s22], $0x8000  }
0x110: {  	[sflag:s22] =	ssyncset.done $0x0  }
0x111: {  	p0 =	sgt.u32 s25, $0x8;
	[sflag:s22] =	ssyncadd.s32 $0xFFFF8000  }
0x112: {  	v2 =	vld.msk @!p0 [tilespmem:s23+$0xFFFFFF10], $0xff;
	_ =	sdelay $0x4  }
0x113: {  	v3 =	vshll.u32 @!p0 v2, $0x4  }
0x114: {  	v4 =	vlaneseq.u32 @!p0;
	v2 =	vand.u32 @!p0 $0x7, v2;
	v3 =	vand.u32 @!p0 $0xFFFFFF80, v3  }
0x115: {  	v2 =	vor.u32 @!p0 v2, v3;
	v3 =	vand.u32 @!p0 $0x7, v4;
	v4 =	vshrl.u32 @!p0 v4, $0x3  }
0x116: {  	v2 =	vperm.xlane @!p0 v2, v3;
	v4 =	vmul.u32 @!p0 $0x8, v4;
	_ =	sdelay $0x1  }
0x117: {  	v2 =	vadd.s32 @!p0 v4, v2;
	_ =	sdelay $0x3  }
0x118: {  	vm1 =	vmmov @!p0 $0xffff;
	s28 =	simm.s32 @!p0 $0x10200;
	s26 =	simm.s32 @!p0 $0x0  }
0x119: {  	[tilespmem:s28], [sflag:$0x3] =	stream.indirect_vreg.gather @!p0 [hbm4b:s0+s26], $0x80, v2, vm1, $0xb8;
	[tilespmem:$0x18200] =	vst v63  }
0x11a: {  	s28 =	simm.s32 @!p0 $0x10A00  }
0x11b: {  	[tilespmem:s28], [sflag:$0x3] =	stream.indirect_vreg.gather @!p0 [hbm4b:s6+s26], $0x80, v2, vm1, $0xb8;
	[tilespmem:$0x18200] =	vst v63  }
0x11c: {  	s28 =	simm.s32 @!p0 $0x11200  }
0x11d: {  	[tilespmem:s28], [sflag:$0x3] =	stream.indirect_vreg.gather @!p0 [hbm4b:s7+s26], $0x80, v2, vm1, $0xb8;
	[tilespmem:$0x18200] =	vst v63  }
0x11e: {  	s28 =	simm.s32 @!p0 $0x11A00  }
0x11f: {  	[tilespmem:s28], [sflag:$0x3] =	stream.indirect_vreg.gather @!p0 [hbm4b:s8+s26], $0x80, v2, vm1, $0xb8;
	[tilespmem:$0x18200] =	vst v63  }
0x120: {  	s28 =	simm.s32 @!p0 $0x12200  }
0x121: {  	[tilespmem:s28], [sflag:$0x3] =	stream.indirect_vreg.gather @!p0 [hbm4b:s9+s26], $0x80, v2, vm1, $0xb8;
	[tilespmem:$0x18200] =	vst v63  }
0x122: {  	s28 =	simm.s32 @!p0 $0x12A00  }
0x123: {  	[tilespmem:s28], [sflag:$0x3] =	stream.indirect_vreg.gather @!p0 [hbm4b:s10+s26], $0x80, v2, vm1, $0xb8;
	[tilespmem:$0x18200] =	vst v63  }
0x124: {  	s28 =	simm.s32 @!p0 $0x13200  }
0x125: {  	[tilespmem:s28], [sflag:$0x3] =	stream.indirect_vreg.gather @!p0 [hbm4b:s11+s26], $0x80, v2, vm1, $0xb8;
	[tilespmem:$0x18200] =	vst v63  }
0x126: {  	s28 =	simm.s32 @!p0 $0x13A00  }
0x127: {  	[tilespmem:s28], [sflag:$0x3] =	stream.indirect_vreg.gather @!p0 [hbm4b:s12+s26], $0x80, v2, vm1, $0xb8;
	[tilespmem:$0x18200] =	vst v63  }
0x128: {  	v2 =	vld.msk @!p0 [tilespmem:s23+$0x10], $0xff;
	_ =	sdelay $0x4  }
0x129: {  	v5 =	vshll.u32 @!p0 v2, $0x4  }
0x12a: {  	v2 =	vand.u32 @!p0 $0x7, v2;
	v5 =	vand.u32 @!p0 $0xFFFFFF80, v5  }
0x12b: {  	v2 =	vor.u32 @!p0 v2, v5  }
0x12c: {  	v2 =	vperm.xlane @!p0 v2, v3;
	_ =	sdelay $0x1  }
0x12d: {  	v2 =	vadd.s32 @!p0 v4, v2;
	_ =	sdelay $0x3  }
0x12e: {  	s28 =	simm.s32 @!p0 $0x14200  }
0x12f: {  	[tilespmem:s28], [sflag:$0x3] =	stream.indirect_vreg.gather @!p0 [hbm4b:s0+s26], $0x80, v2, vm1, $0xb8;
	[tilespmem:$0x18200] =	vst v63  }
0x130: {  	s28 =	simm.s32 @!p0 $0x14A00  }
0x131: {  	[tilespmem:s28], [sflag:$0x3] =	stream.indirect_vreg.gather @!p0 [hbm4b:s6+s26], $0x80, v2, vm1, $0xb8;
	[tilespmem:$0x18200] =	vst v63  }
0x132: {  	s28 =	simm.s32 @!p0 $0x15200  }
0x133: {  	[tilespmem:s28], [sflag:$0x3] =	stream.indirect_vreg.gather @!p0 [hbm4b:s7+s26], $0x80, v2, vm1, $0xb8;
	[tilespmem:$0x18200] =	vst v63  }
0x134: {  	s28 =	simm.s32 @!p0 $0x15A00  }
0x135: {  	[tilespmem:s28], [sflag:$0x3] =	stream.indirect_vreg.gather @!p0 [hbm4b:s8+s26], $0x80, v2, vm1, $0xb8;
	[tilespmem:$0x18200] =	vst v63  }
0x136: {  	s28 =	simm.s32 @!p0 $0x16200  }
0x137: {  	[tilespmem:s28], [sflag:$0x3] =	stream.indirect_vreg.gather @!p0 [hbm4b:s9+s26], $0x80, v2, vm1, $0xb8;
	[tilespmem:$0x18200] =	vst v63  }
0x138: {  	s28 =	simm.s32 @!p0 $0x16A00  }
0x139: {  	[tilespmem:s28], [sflag:$0x3] =	stream.indirect_vreg.gather @!p0 [hbm4b:s10+s26], $0x80, v2, vm1, $0xb8;
	[tilespmem:$0x18200] =	vst v63  }
0x13a: {  	s28 =	simm.s32 @!p0 $0x17200  }
0x13b: {  	[tilespmem:s28], [sflag:$0x3] =	stream.indirect_vreg.gather @!p0 [hbm4b:s11+s26], $0x80, v2, vm1, $0xb8;
	[tilespmem:$0x18200] =	vst v63  }
0x13c: {  	s24 =	sadd.s32 $0x3000, s24;
	s28 =	simm.s32 @!p0 $0x17A00  }
0x13d: {  	[tilespmem:s28], [sflag:$0x3] =	stream.indirect_vreg.gather @!p0 [hbm4b:s12+s26], $0x80, v2, vm1, $0xb8;
	[tilespmem:$0x18200] =	vst v63  }
0x13e: {  	p0 =	sne.s32 s24, $0x21000  }
.Ltmp3:
0x13f: {  	_ = 	snop;
	(pc) =	sbr.rel @p0 .LBB2_2-.Ltmp3, $4  }
.Ltmp4:
0x140: {  	_ = 	snop;
	(pc) =	sbr.rel @!p0 .LBB2_4-.Ltmp4, $4  }
0x141: {  	_ = 	snop  }
0x142: {  	_ = 	snop  }
0x143: {  	s25 =	sadd.s32 $0x1, s25;
	s23 =	sadd.s32 $0x18, s23  }
0x144: {  	_ = 	snop  }
.LBB2_5:
0x145: {  	_ =	sfence.sel $0x180000  }
0x146: {  	[bflag:$0x0] =	sbarrier.arrive $0xFFFF  }
0x147: {  	_ =	strace $0x90000047  }
0x148: {  	s0 =	stileid.u32;
	[bflag:$0x2] =	sbarrier.arrive $0xFFFF  }
0x149: {  	p0 =	sne.s32 s0, $0x0;
	s0 =	rddreg [dreg:$0x4]  }
0x14a: {  	s0 =	sadd.s32 @!p0 $0x100000, s0  }
0x14b: {  	[sflag:s0] =	ssyncadd.tile.s32 @!p0 $0x1;
	_ =	shalt  }
.Lfunc_end2:
_tile_overlayer_lowered:
.L_overlay_start_2:
0x14c: {  	(tag) =	ssettag $0x2  }
0x14d: {  	s0 =	rddreg [dreg:$0x0];
	s2 =	stileid.u32  }
0x14e: {  	s1 =	rddreg [dreg:$0x1];
	p0 =	sne.s32 s2, $0x0  }
0x14f: {  	s3 =	rddreg [dreg:$0x2];
	[bflag:$0x3] =	sbarrier.arrive $0xFFFF;
	s2 =	simm.s32 @!p0 $0x1C07  }
0x150: {  	[timem:s3], [sflag:s2] =	dma.local @!p0 [hbm:s0], s1  }
0x151: {  	s0 =	simm.s32 @!p0 $0x7  }
0x152: {  	_ =	swait.ge @!p0 [sflag:s0], s1  }
0x153: {  	s1 =	ssub.s32 @!p0 $0x0, s1;
	[sflag:s0] =	ssyncset.done @!p0 $0x0  }
0x154: {  	[sflag:s0] =	ssyncadd.s32 @!p0 s1  }
0x155: {  	[bflag:$0x3] =	sbarrier.arrive $0xFFFF  }
0x156: {  	_ =	shalt  }

</sc_bundles>
